<compile_context>
chip_gen: v7x
topology: tpu7x:2x2x1
jax: 0.10.2.dev20260603
libtpu: 0.0.44.dev20260713+nightly
codegen_flags: <defaults>
</compile_context>

<pallas_src>
import jax
import jax.numpy as jnp
from jax import lax
from jax.experimental import pallas as pl
from jax.experimental.pallas import tpu as pltpu
from jax.experimental.pallas import tpu_sc as plsc

NFEAT = 128
H = 64
NCLASS = 41
TDIM = 64
TNUM = 100000
B = 10000
N1 = 8
N2 = 2


_NC = 2
_NS = 16
_NW = _NC * _NS
_CH = 128
_NCHUNK = 20
_BPW = _CH * _NCHUNK
_BPAD = _BPW * _NW
_NBUF = 4


def _sc_gather_body(table_hbm, idx_hbm, out_hbm, idx_v, bufs0, bufs1, bufs2,
                    bufs3, gs0, gs1, gs2, gs3, os0, os1, os2, os3):
    bufs = [bufs0, bufs1, bufs2, bufs3]
    gsems = [gs0, gs1, gs2, gs3]
    osems = [os0, os1, os2, os3]
    wid = lax.axis_index("s") * _NC + lax.axis_index("c")
    base = wid * _BPW
    pltpu.sync_copy(idx_hbm.at[pl.ds(base, _BPW)], idx_v)
    gcp = [None] * _NBUF
    ocp = [None] * _NBUF
    for j in range(_NBUF):
        gcp[j] = pltpu.async_copy(
            table_hbm.at[idx_v.at[pl.ds(j * _CH, _CH)]], bufs[j], gsems[j])
    for i in range(_NCHUNK):
        b = i % _NBUF
        gcp[b].wait()
        ocp[b] = pltpu.async_copy(
            bufs[b], out_hbm.at[pl.ds(base + i * _CH, _CH), 0:TDIM],
            osems[b])
        nxt = i + _NBUF
        if nxt < _NCHUNK:
            ocp[b].wait()
            gcp[b] = pltpu.async_copy(
                table_hbm.at[idx_v.at[pl.ds(nxt * _CH, _CH)]], bufs[b],
                gsems[b])
    for j in range(_NBUF):
        ocp[(_NCHUNK - _NBUF + j) % _NBUF].wait()


def _sc_gather(table, idx_pad):
    mesh = plsc.VectorSubcoreMesh(core_axis_name="c", subcore_axis_name="s")
    f = pl.kernel(
        _sc_gather_body,
        mesh=mesh,
        compiler_params=pltpu.CompilerParams(use_tc_tiling_on_sc=False),
        out_type=jax.ShapeDtypeStruct((_BPAD, 2 * TDIM), jnp.float32),
        scratch_types=(
            [pltpu.VMEM((_BPW,), jnp.int32)]
            + [pltpu.VMEM((_CH, TDIM), jnp.float32) for _ in range(_NBUF)]
            + [pltpu.SemaphoreType.DMA for _ in range(2 * _NBUF)]
        ),
    )
    return f(table, idx_pad)



_P = 400
_GRID = B // _P


def _pair_mean(x):
    n2, d = x.shape
    rows = lax.broadcasted_iota(jnp.int32, (128, 256), 0)
    cols = lax.broadcasted_iota(jnp.int32, (128, 256), 1)
    s0 = jnp.where(cols // 2 == rows, 0.5, 0.0).astype(jnp.float32)
    chunks = [
        jnp.dot(s0, x[k * 256:(k + 1) * 256], precision=lax.Precision.DEFAULT)
        for k in range(n2 // 256)
    ]
    if n2 % 256:
        rt = lax.broadcasted_iota(jnp.int32, (64, 128), 0)
        ct = lax.broadcasted_iota(jnp.int32, (64, 128), 1)
        st = jnp.where(ct // 2 == rt, 0.5, 0.0).astype(jnp.float32)
        chunks.append(jnp.dot(st, x[(n2 // 256) * 256:],
                              precision=lax.Precision.DEFAULT))
    return jnp.concatenate(chunks, axis=0)


def _pre_body(x0r, x1r, x2r, xb0r, xb2r, W1r, b1r, W2r, b2r, Wtr,
              out1r, e0r, agge2r):
    prec = lax.Precision.DEFAULT
    W1 = W1r[...]
    b1 = b1r[...]
    Wt = Wtr[...]
    a1 = x1r[...].reshape(_P, N1, NFEAT).sum(axis=1) * (1.0 / N1)
    h0 = jnp.maximum(
        jnp.dot(x0r[...] + a1, W1, precision=prec) + b1, 0.0)
    a2 = _pair_mean(x2r[...])
    h1 = jnp.maximum(
        jnp.dot(x1r[...] + a2, W1, precision=prec) + b1, 0.0)
    ah1 = h1.reshape(_P, N1, H).sum(axis=1) * (1.0 / N1)
    out1r[...] = jnp.dot(h0 + ah1, W2r[...], precision=prec) + b2r[...]
    e0r[...] = jnp.maximum(jnp.dot(xb0r[...], Wt, precision=prec), 0.0)
    e2 = jnp.maximum(jnp.dot(xb2r[...], Wt, precision=prec), 0.0)
    agge2r[...] = _pair_mean(e2).astype(jnp.bfloat16)


def _dense_pre(x0, x1, x2, xbi0, xbi2, W1, b1, W2, b2, Wt):
    const = lambda shp: pl.BlockSpec(shp, lambda i: (0, 0))
    return pl.pallas_call(
        _pre_body,
        grid=(_GRID,),
        in_specs=[
            pl.BlockSpec((_P, NFEAT), lambda i: (i, 0)),
            pl.BlockSpec((_P * N1, NFEAT), lambda i: (i, 0)),
            pl.BlockSpec((_P * N1 * N2, NFEAT), lambda i: (i, 0)),
            pl.BlockSpec((_P, NFEAT), lambda i: (i, 0)),
            pl.BlockSpec((_P * N1 * N2, NFEAT), lambda i: (i, 0)),
            const((NFEAT, H)),
            const((1, H)),
            const((H, NCLASS)),
            const((1, NCLASS)),
            const((NFEAT, TDIM)),
        ],
        out_specs=[
            pl.BlockSpec((_P, NCLASS), lambda i: (i, 0)),
            pl.BlockSpec((_P, TDIM), lambda i: (i, 0)),
            pl.BlockSpec((_P * N1, TDIM), lambda i: (i, 0)),
        ],
        out_shape=[
            jax.ShapeDtypeStruct((B, NCLASS), jnp.float32),
            jax.ShapeDtypeStruct((B, TDIM), jnp.float32),
            jax.ShapeDtypeStruct((B * N1, TDIM), jnp.bfloat16),
        ],
    )(x0, x1, x2, xbi0, xbi2, W1, b1.reshape(1, H), W2, b2.reshape(1, NCLASS),
      Wt)



def _final_body(e1r, e0r, agge2r, out1r, Wb1r, bb1r, Wb2r, bb2r, outr):
    prec = lax.Precision.DEFAULT
    Wb1 = Wb1r[...]
    bb1 = bb1r[...]
    e1 = e1r[...][:, 0:TDIM]
    ae1 = e1.reshape(_P, N1, TDIM).sum(axis=1) * (1.0 / N1)
    hb0 = jnp.maximum(
        jnp.dot(e0r[...] + ae1, Wb1, precision=prec) + bb1, 0.0)
    hb1 = jnp.maximum(
        jnp.dot(e1 + agge2r[...].astype(jnp.float32), Wb1, precision=prec)
        + bb1, 0.0)
    ahb1 = hb1.reshape(_P, N1, H).sum(axis=1) * (1.0 / N1)
    out2 = jnp.dot(hb0 + ahb1, Wb2r[...], precision=prec) + bb2r[...]
    o = 0.8 * out1r[...] + 0.2 * out2
    m = jnp.max(o, axis=1, keepdims=True)
    lse = jnp.log(jnp.sum(jnp.exp(o - m), axis=1, keepdims=True)) + m
    outr[...] = o - lse


def _final(e1, e0, agge2, out1, Wb1, bb1, Wb2, bb2):
    const = lambda shp: pl.BlockSpec(shp, lambda i: (0, 0))
    return pl.pallas_call(
        _final_body,
        grid=(_GRID,),
        in_specs=[
            pl.BlockSpec((_P * N1, 2 * TDIM), lambda i: (i, 0)),
            pl.BlockSpec((_P, TDIM), lambda i: (i, 0)),
            pl.BlockSpec((_P * N1, TDIM), lambda i: (i, 0)),
            pl.BlockSpec((_P, NCLASS), lambda i: (i, 0)),
            const((H, H)),
            const((1, H)),
            const((H, NCLASS)),
            const((1, NCLASS)),
        ],
        out_specs=pl.BlockSpec((_P, NCLASS), lambda i: (i, 0)),
        out_shape=jax.ShapeDtypeStruct((B, NCLASS), jnp.float32),
    )(e1, e0, agge2, out1, Wb1, bb1.reshape(1, H), Wb2, bb2.reshape(1, NCLASS))


def kernel(x0, x1, x2, xbi0, xbi1, xbi2, W1, b1, W2, b2, Wb1, bb1, Wb2, bb2,
           table, weight_trans):
    idx = xbi1.astype(jnp.int32)
    idx_pad = jnp.concatenate(
        [idx, jnp.zeros((_BPAD - B * N1,), jnp.int32)])
    e1 = _sc_gather(table, idx_pad)
    out1, e0, agge2 = _dense_pre(x0, x1, x2, xbi0, xbi2, W1, b1, W2, b2,
                                 weight_trans)
    return _final(e1, e0, agge2, out1, Wb1, bb1, Wb2, bb2)

# --- scband reference (transcript-rebuilt; emitter-appended) ---
"""Pipeline reference for scband-gcr-58789512348199 (READ-ONLY COPY).

The authoritative reference and input builder live on the scoring server;
editing this copy changes nothing except your own understanding.
"""

import jax, jax.numpy as jnp
import numpy as np

NFEAT = 128
H = 64
NCLASS = 41
TDIM = 64
TNUM = 100000
B = 10000
ND = [8, 2]  # sampled neighbor fan-outs per hop (ndim == ndim_bi)


def setup_inputs(seed: int = 0) -> dict:
    key = jax.random.key(seed)
    ks = jax.random.split(key, 20)
    x0 = jax.random.normal(ks[0], (B, NFEAT), dtype=jnp.float32)
    x1 = jax.random.normal(ks[1], (B * ND[0], NFEAT), dtype=jnp.float32)
    x2 = jax.random.normal(ks[2], (B * ND[0] * ND[1], NFEAT), dtype=jnp.float32)
    xbi0 = jax.random.normal(ks[3], (B, NFEAT), dtype=jnp.float32)
    xbi1 = jax.random.randint(ks[4], (B * ND[0],), 0, TNUM, dtype=jnp.int64)
    xbi2 = jax.random.normal(ks[5], (B * ND[0] * ND[1], NFEAT), dtype=jnp.float32)
    # learned parameters
    W1 = jax.random.normal(ks[6], (NFEAT, H), dtype=jnp.float32) / np.sqrt(NFEAT)
    b1 = jnp.zeros((H,), dtype=jnp.float32)
    W2 = jax.random.normal(ks[7], (H, NCLASS), dtype=jnp.float32) / np.sqrt(H)
    b2 = jnp.zeros((NCLASS,), dtype=jnp.float32)
    Wb1 = jax.random.normal(ks[8], (TDIM, H), dtype=jnp.float32) / np.sqrt(TDIM)
    bb1 = jnp.zeros((H,), dtype=jnp.float32)
    Wb2 = jax.random.normal(ks[9], (H, NCLASS), dtype=jnp.float32) / np.sqrt(H)
    bb2 = jnp.zeros((NCLASS,), dtype=jnp.float32)
    table = jax.random.normal(ks[10], (TNUM, TDIM), dtype=jnp.float32) * 0.05
    stdv = 1.0 / np.sqrt(TDIM)
    weight_trans = jax.random.uniform(ks[11], (NFEAT, TDIM), dtype=jnp.float32, minval=-stdv, maxval=stdv)
    return {
        'x0': x0, 'x1': x1, 'x2': x2,
        'xbi0': xbi0, 'xbi1': xbi1, 'xbi2': xbi2,
        'W1': W1, 'b1': b1, 'W2': W2, 'b2': b2,
        'Wb1': Wb1, 'bb1': bb1, 'Wb2': Wb2, 'bb2': bb2,
        'table': table, 'weight_trans': weight_trans,
    }


def _layer(self_feat, neigh_feat, neigh_num, W, b):
    # GraphSAGE-mean style sampled message passing (SparseLayer/DenseLayer):
    # neighbor rows are grouped per parent node and mean-aggregated, then a
    # shared linear transform is applied to (self + neigh_mean).
    agg = neigh_feat.reshape(self_feat.shape[0], neigh_num, neigh_feat.shape[-1]).mean(axis=1)
    return (self_feat + agg) @ W + b


def reference(x0, x1, x2, xbi0, xbi1, xbi2, W1, b1, W2, b2, Wb1, bb1, Wb2, bb2, table, weight_trans):
    # ---- main feature branch (2 layers over 2-hop samples) ----
    xs = [x0, x1, x2]
    # layer 0 (SparseLayer analogue) -> relu (+ dropout == identity in eval)
    h = [jax.nn.relu(_layer(xs[i], xs[i + 1], ND[i], W1, b1)) for i in range(2)]
    out1 = _layer(h[0], h[1], ND[0], W2, b2)
    # ---- bi (side-info) branch: table_embedding then 2 layers ----
    e0 = jax.nn.relu(xbi0 @ weight_trans)
    e1 = jnp.take(table, xbi1, axis=0).reshape(-1, TDIM)
    e2 = jax.nn.relu(xbi2 @ weight_trans)
    es = [e0, e1, e2]
    hb = [jax.nn.relu(_layer(es[i], es[i + 1], ND[i], Wb1, bb1)) for i in range(2)]
    out2 = _layer(hb[0], hb[1], ND[0], Wb2, bb2)
    com_weight = 0.8
    output = com_weight * out1 + (1.0 - com_weight) * out2
    return jax.nn.log_softmax(output, axis=1)

if __name__ == "__main__":
    import jax
    _d = setup_inputs()
    print(jax.jit(kernel)(*tuple(_d.values())))

</pallas_src>

<mosaic_0001>
#map = affine_map<(d0, d1) -> (0, 0)>
#map1 = affine_map<(d0, d1) -> (0)>
module attributes {stable_mosaic.version = 14 : i64} {
  func.func @_sc_gather_body(%arg0: i32, %arg1: i32, %arg2: memref<100000x64xf32, #tpu.memory_space<hbm>>, %arg3: memref<81920xi32, #tpu.memory_space<hbm>>, %arg4: memref<81920x128xf32, #tpu.memory_space<hbm>>, %arg5: memref<2560xi32, #tpu.memory_space<vmem>>, %arg6: memref<128x64xf32, #tpu.memory_space<vmem>>, %arg7: memref<128x64xf32, #tpu.memory_space<vmem>>, %arg8: memref<128x64xf32, #tpu.memory_space<vmem>>, %arg9: memref<128x64xf32, #tpu.memory_space<vmem>>, %arg10: memref<!tpu.dma_semaphore, #tpu.memory_space<semaphore_mem>>, %arg11: memref<!tpu.dma_semaphore, #tpu.memory_space<semaphore_mem>>, %arg12: memref<!tpu.dma_semaphore, #tpu.memory_space<semaphore_mem>>, %arg13: memref<!tpu.dma_semaphore, #tpu.memory_space<semaphore_mem>>, %arg14: memref<!tpu.dma_semaphore, #tpu.memory_space<semaphore_mem>>, %arg15: memref<!tpu.dma_semaphore, #tpu.memory_space<semaphore_mem>>, %arg16: memref<!tpu.dma_semaphore, #tpu.memory_space<semaphore_mem>>, %arg17: memref<!tpu.dma_semaphore, #tpu.memory_space<semaphore_mem>>) attributes {dimension_semantics = [#tpu.dimension_semantics<core_parallel>, #tpu.dimension_semantics<subcore_parallel>], iteration_bounds = array<i64: 2, 16>, scalar_prefetch = 0 : i64, scratch_operands = 13 : i64, tpu.core_type = #tpu.core_type<sc_vector_subcore>, window_params = [{transform_indices = #map}, {transform_indices = #map1}, {transform_indices = #map}]} {
    %mul3A = arith.constant 2 : i32
    %mul3A_0 = arith.muli %arg1, %mul3A : i32
    %add3A = arith.addi %mul3A_0, %arg0 : i32
    %mul3A_1 = arith.constant 2560 : i32
    %mul3A_2 = arith.muli %add3A, %mul3A_1 : i32
    "tpu.region"() ({
      %run_scoped3A = tpu.sem_alloc : memref<!tpu.dma_semaphore, #tpu.memory_space<semaphore_mem>>
      %dma_start3A_401 = tpu.memref_slice %arg3[%mul3A_2] : memref<81920xi32, #tpu.memory_space<hbm>> -> memref<2560xi32, #tpu.memory_space<hbm>>
      %dma_start3A_402 = tpu.memref_slice %arg3[%mul3A_2] : memref<81920xi32, #tpu.memory_space<hbm>> -> memref<2560xi32, #tpu.memory_space<hbm>>
      tpu.enqueue_dma source(%dma_start3A_402 : memref<2560xi32, #tpu.memory_space<hbm>>) target(%arg5 : memref<2560xi32, #tpu.memory_space<vmem>>) target_semaphore(%run_scoped3A : memref<!tpu.dma_semaphore, #tpu.memory_space<semaphore_mem>>)
      %dma_wait3A_403 = tpu.memref_slice %arg3[%mul3A_2] : memref<81920xi32, #tpu.memory_space<hbm>> -> memref<2560xi32, #tpu.memory_space<hbm>>
      %dma_wait3A_404 = tpu.memref_slice %arg3[%mul3A_2] : memref<81920xi32, #tpu.memory_space<hbm>> -> memref<2560xi32, #tpu.memory_space<hbm>>
      tpu.wait_dma2 semaphore(%run_scoped3A : memref<!tpu.dma_semaphore, #tpu.memory_space<semaphore_mem>>) src(%dma_wait3A_404 : memref<2560xi32, #tpu.memory_space<hbm>>) dst(%arg5 : memref<2560xi32, #tpu.memory_space<vmem>>)
      tpu.yield
    }) : () -> ()
    %dma_start3A = arith.constant 0 : i32
    %dma_start3A_3 = tpu.memref_slice %arg5[%dma_start3A] : memref<2560xi32, #tpu.memory_space<vmem>> -> memref<128xi32, #tpu.memory_space<vmem>>
    %dma_start3A_4 = arith.constant 0 : i32
    %dma_start3A_5 = arith.constant 0 : i32
    %dma_start3A_6 = tpu.memref_slice %arg2[%dma_start3A_4, %dma_start3A_5] : memref<100000x64xf32, #tpu.memory_space<hbm>> -> memref<100000x64xf32, #tpu.memory_space<hbm>>
    tpu.enqueue_indirect_dma source(%dma_start3A_6 : memref<100000x64xf32, #tpu.memory_space<hbm>>) target(%arg6 : memref<128x64xf32, #tpu.memory_space<vmem>>) offsets(%dma_start3A_3 : memref<128xi32, #tpu.memory_space<vmem>>) semaphore(%arg10 : memref<!tpu.dma_semaphore, #tpu.memory_space<semaphore_mem>>)
    %dma_start3A_7 = arith.constant 128 : i32
    %dma_start3A_8 = tpu.memref_slice %arg5[%dma_start3A_7] : memref<2560xi32, #tpu.memory_space<vmem>> -> memref<128xi32, #tpu.memory_space<vmem>>
    %dma_start3A_9 = arith.constant 0 : i32
    %dma_start3A_10 = arith.constant 0 : i32
    %dma_start3A_11 = tpu.memref_slice %arg2[%dma_start3A_9, %dma_start3A_10] : memref<100000x64xf32, #tpu.memory_space<hbm>> -> memref<100000x64xf32, #tpu.memory_space<hbm>>
    tpu.enqueue_indirect_dma source(%dma_start3A_11 : memref<100000x64xf32, #tpu.memory_space<hbm>>) target(%arg7 : memref<128x64xf32, #tpu.memory_space<vmem>>) offsets(%dma_start3A_8 : memref<128xi32, #tpu.memory_space<vmem>>) semaphore(%arg11 : memref<!tpu.dma_semaphore, #tpu.memory_space<semaphore_mem>>)
    %dma_start3A_12 = arith.constant 256 : i32
    %dma_start3A_13 = tpu.memref_slice %arg5[%dma_start3A_12] : memref<2560xi32, #tpu.memory_space<vmem>> -> memref<128xi32, #tpu.memory_space<vmem>>
    %dma_start3A_14 = arith.constant 0 : i32
    %dma_start3A_15 = arith.constant 0 : i32
    %dma_start3A_16 = tpu.memref_slice %arg2[%dma_start3A_14, %dma_start3A_15] : memref<100000x64xf32, #tpu.memory_space<hbm>> -> memref<100000x64xf32, #tpu.memory_space<hbm>>
    tpu.enqueue_indirect_dma source(%dma_start3A_16 : memref<100000x64xf32, #tpu.memory_space<hbm>>) target(%arg8 : memref<128x64xf32, #tpu.memory_space<vmem>>) offsets(%dma_start3A_13 : memref<128xi32, #tpu.memory_space<vmem>>) semaphore(%arg12 : memref<!tpu.dma_semaphore, #tpu.memory_space<semaphore_mem>>)
    %dma_start3A_17 = arith.constant 384 : i32
    %dma_start3A_18 = tpu.memref_slice %arg5[%dma_start3A_17] : memref<2560xi32, #tpu.memory_space<vmem>> -> memref<128xi32, #tpu.memory_space<vmem>>
    %dma_start3A_19 = arith.constant 0 : i32
    %dma_start3A_20 = arith.constant 0 : i32
    %dma_start3A_21 = tpu.memref_slice %arg2[%dma_start3A_19, %dma_start3A_20] : memref<100000x64xf32, #tpu.memory_space<hbm>> -> memref<100000x64xf32, #tpu.memory_space<hbm>>
    tpu.enqueue_indirect_dma source(%dma_start3A_21 : memref<100000x64xf32, #tpu.memory_space<hbm>>) target(%arg9 : memref<128x64xf32, #tpu.memory_space<vmem>>) offsets(%dma_start3A_18 : memref<128xi32, #tpu.memory_space<vmem>>) semaphore(%arg13 : memref<!tpu.dma_semaphore, #tpu.memory_space<semaphore_mem>>)
    %dma_wait3A = arith.constant 0 : i32
    %dma_wait3A_22 = tpu.memref_slice %arg5[%dma_wait3A] : memref<2560xi32, #tpu.memory_space<vmem>> -> memref<128xi32, #tpu.memory_space<vmem>>
    %dma_wait3A_23 = arith.constant 0 : i32
    %dma_wait3A_24 = arith.constant 0 : i32
    %dma_wait3A_25 = tpu.memref_slice %arg2[%dma_wait3A_23, %dma_wait3A_24] : memref<100000x64xf32, #tpu.memory_space<hbm>> -> memref<100000x64xf32, #tpu.memory_space<hbm>>
    tpu.wait_indirect_dma semaphore(%arg10 : memref<!tpu.dma_semaphore, #tpu.memory_space<semaphore_mem>>) src(%dma_wait3A_25 : memref<100000x64xf32, #tpu.memory_space<hbm>>) dst(%arg6 : memref<128x64xf32, #tpu.memory_space<vmem>>)
    %add3A_26 = arith.constant 0 : i32
    %add3A_27 = arith.addi %mul3A_2, %add3A_26 : i32
    %dma_start3A_28 = arith.constant 0 : i32
    %dma_start3A_29 = tpu.memref_slice %arg4[%add3A_27, %dma_start3A_28] : memref<81920x128xf32, #tpu.memory_space<hbm>> -> memref<128x64xf32, #tpu.memory_space<hbm>>
    %dma_start3A_30 = arith.constant 0 : i32
    %dma_start3A_31 = tpu.memref_slice %arg4[%add3A_27, %dma_start3A_30] : memref<81920x128xf32, #tpu.memory_space<hbm>> -> memref<128x64xf32, #tpu.memory_space<hbm>>
    tpu.enqueue_dma source(%arg6 : memref<128x64xf32, #tpu.memory_space<vmem>>) target(%dma_start3A_31 : memref<128x64xf32, #tpu.memory_space<hbm>>) target_semaphore(%arg14 : memref<!tpu.dma_semaphore, #tpu.memory_space<semaphore_mem>>)
    %dma_wait3A_32 = arith.constant 0 : i32
    %dma_wait3A_33 = tpu.memref_slice %arg4[%add3A_27, %dma_wait3A_32] : memref<81920x128xf32, #tpu.memory_space<hbm>> -> memref<128x64xf32, #tpu.memory_space<hbm>>
    %dma_wait3A_34 = arith.constant 0 : i32
    %dma_wait3A_35 = tpu.memref_slice %arg4[%add3A_27, %dma_wait3A_34] : memref<81920x128xf32, #tpu.memory_space<hbm>> -> memref<128x64xf32, #tpu.memory_space<hbm>>
    tpu.wait_dma2 semaphore(%arg14 : memref<!tpu.dma_semaphore, #tpu.memory_space<semaphore_mem>>) src(%arg6 : memref<128x64xf32, #tpu.memory_space<vmem>>) dst(%dma_wait3A_35 : memref<128x64xf32, #tpu.memory_space<hbm>>)
    %dma_start3A_36 = arith.constant 512 : i32
    %dma_start3A_37 = tpu.memref_slice %arg5[%dma_start3A_36] : memref<2560xi32, #tpu.memory_space<vmem>> -> memref<128xi32, #tpu.memory_space<vmem>>
    %dma_start3A_38 = arith.constant 0 : i32
    %dma_start3A_39 = arith.constant 0 : i32
    %dma_start3A_40 = tpu.memref_slice %arg2[%dma_start3A_38, %dma_start3A_39] : memref<100000x64xf32, #tpu.memory_space<hbm>> -> memref<100000x64xf32, #tpu.memory_space<hbm>>
    tpu.enqueue_indirect_dma source(%dma_start3A_40 : memref<100000x64xf32, #tpu.memory_space<hbm>>) target(%arg6 : memref<128x64xf32, #tpu.memory_space<vmem>>) offsets(%dma_start3A_37 : memref<128xi32, #tpu.memory_space<vmem>>) semaphore(%arg10 : memref<!tpu.dma_semaphore, #tpu.memory_space<semaphore_mem>>)
    %dma_wait3A_41 = arith.constant 128 : i32
    %dma_wait3A_42 = tpu.memref_slice %arg5[%dma_wait3A_41] : memref<2560xi32, #tpu.memory_space<vmem>> -> memref<128xi32, #tpu.memory_space<vmem>>
    %dma_wait3A_43 = arith.constant 0 : i32
    %dma_wait3A_44 = arith.constant 0 : i32
    %dma_wait3A_45 = tpu.memref_slice %arg2[%dma_wait3A_43, %dma_wait3A_44] : memref<100000x64xf32, #tpu.memory_space<hbm>> -> memref<100000x64xf32, #tpu.memory_space<hbm>>
    tpu.wait_indirect_dma semaphore(%arg11 : memref<!tpu.dma_semaphore, #tpu.memory_space<semaphore_mem>>) src(%dma_wait3A_45 : memref<100000x64xf32, #tpu.memory_space<hbm>>) dst(%arg7 : memref<128x64xf32, #tpu.memory_space<vmem>>)
    %add3A_46 = arith.constant 128 : i32
    %add3A_47 = arith.addi %mul3A_2, %add3A_46 : i32
    %dma_start3A_48 = arith.constant 0 : i32
    %dma_start3A_49 = tpu.memref_slice %arg4[%add3A_47, %dma_start3A_48] : memref<81920x128xf32, #tpu.memory_space<hbm>> -> memref<128x64xf32, #tpu.memory_space<hbm>>
    %dma_start3A_50 = arith.constant 0 : i32
    %dma_start3A_51 = tpu.memref_slice %arg4[%add3A_47, %dma_start3A_50] : memref<81920x128xf32, #tpu.memory_space<hbm>> -> memref<128x64xf32, #tpu.memory_space<hbm>>
    tpu.enqueue_dma source(%arg7 : memref<128x64xf32, #tpu.memory_space<vmem>>) target(%dma_start3A_51 : memref<128x64xf32, #tpu.memory_space<hbm>>) target_semaphore(%arg15 : memref<!tpu.dma_semaphore, #tpu.memory_space<semaphore_mem>>)
    %dma_wait3A_52 = arith.constant 0 : i32
    %dma_wait3A_53 = tpu.memref_slice %arg4[%add3A_47, %dma_wait3A_52] : memref<81920x128xf32, #tpu.memory_space<hbm>> -> memref<128x64xf32, #tpu.memory_space<hbm>>
    %dma_wait3A_54 = arith.constant 0 : i32
    %dma_wait3A_55 = tpu.memref_slice %arg4[%add3A_47, %dma_wait3A_54] : memref<81920x128xf32, #tpu.memory_space<hbm>> -> memref<128x64xf32, #tpu.memory_space<hbm>>
    tpu.wait_dma2 semaphore(%arg15 : memref<!tpu.dma_semaphore, #tpu.memory_space<semaphore_mem>>) src(%arg7 : memref<128x64xf32, #tpu.memory_space<vmem>>) dst(%dma_wait3A_55 : memref<128x64xf32, #tpu.memory_space<hbm>>)
    %dma_start3A_56 = arith.constant 640 : i32
    %dma_start3A_57 = tpu.memref_slice %arg5[%dma_start3A_56] : memref<2560xi32, #tpu.memory_space<vmem>> -> memref<128xi32, #tpu.memory_space<vmem>>
    %dma_start3A_58 = arith.constant 0 : i32
    %dma_start3A_59 = arith.constant 0 : i32
    %dma_start3A_60 = tpu.memref_slice %arg2[%dma_start3A_58, %dma_start3A_59] : memref<100000x64xf32, #tpu.memory_space<hbm>> -> memref<100000x64xf32, #tpu.memory_space<hbm>>
    tpu.enqueue_indirect_dma source(%dma_start3A_60 : memref<100000x64xf32, #tpu.memory_space<hbm>>) target(%arg7 : memref<128x64xf32, #tpu.memory_space<vmem>>) offsets(%dma_start3A_57 : memref<128xi32, #tpu.memory_space<vmem>>) semaphore(%arg11 : memref<!tpu.dma_semaphore, #tpu.memory_space<semaphore_mem>>)
    %dma_wait3A_61 = arith.constant 256 : i32
    %dma_wait3A_62 = tpu.memref_slice %arg5[%dma_wait3A_61] : memref<2560xi32, #tpu.memory_space<vmem>> -> memref<128xi32, #tpu.memory_space<vmem>>
    %dma_wait3A_63 = arith.constant 0 : i32
    %dma_wait3A_64 = arith.constant 0 : i32
    %dma_wait3A_65 = tpu.memref_slice %arg2[%dma_wait3A_63, %dma_wait3A_64] : memref<100000x64xf32, #tpu.memory_space<hbm>> -> memref<100000x64xf32, #tpu.memory_space<hbm>>
    tpu.wait_indirect_dma semaphore(%arg12 : memref<!tpu.dma_semaphore, #tpu.memory_space<semaphore_mem>>) src(%dma_wait3A_65 : memref<100000x64xf32, #tpu.memory_space<hbm>>) dst(%arg8 : memref<128x64xf32, #tpu.memory_space<vmem>>)
    %add3A_66 = arith.constant 256 : i32
    %add3A_67 = arith.addi %mul3A_2, %add3A_66 : i32
    %dma_start3A_68 = arith.constant 0 : i32
    %dma_start3A_69 = tpu.memref_slice %arg4[%add3A_67, %dma_start3A_68] : memref<81920x128xf32, #tpu.memory_space<hbm>> -> memref<128x64xf32, #tpu.memory_space<hbm>>
    %dma_start3A_70 = arith.constant 0 : i32
    %dma_start3A_71 = tpu.memref_slice %arg4[%add3A_67, %dma_start3A_70] : memref<81920x128xf32, #tpu.memory_space<hbm>> -> memref<128x64xf32, #tpu.memory_space<hbm>>
    tpu.enqueue_dma source(%arg8 : memref<128x64xf32, #tpu.memory_space<vmem>>) target(%dma_start3A_71 : memref<128x64xf32, #tpu.memory_space<hbm>>) target_semaphore(%arg16 : memref<!tpu.dma_semaphore, #tpu.memory_space<semaphore_mem>>)
    %dma_wait3A_72 = arith.constant 0 : i32
    %dma_wait3A_73 = tpu.memref_slice %arg4[%add3A_67, %dma_wait3A_72] : memref<81920x128xf32, #tpu.memory_space<hbm>> -> memref<128x64xf32, #tpu.memory_space<hbm>>
    %dma_wait3A_74 = arith.constant 0 : i32
    %dma_wait3A_75 = tpu.memref_slice %arg4[%add3A_67, %dma_wait3A_74] : memref<81920x128xf32, #tpu.memory_space<hbm>> -> memref<128x64xf32, #tpu.memory_space<hbm>>
    tpu.wait_dma2 semaphore(%arg16 : memref<!tpu.dma_semaphore, #tpu.memory_space<semaphore_mem>>) src(%arg8 : memref<128x64xf32, #tpu.memory_space<vmem>>) dst(%dma_wait3A_75 : memref<128x64xf32, #tpu.memory_space<hbm>>)
    %dma_start3A_76 = arith.constant 768 : i32
    %dma_start3A_77 = tpu.memref_slice %arg5[%dma_start3A_76] : memref<2560xi32, #tpu.memory_space<vmem>> -> memref<128xi32, #tpu.memory_space<vmem>>
    %dma_start3A_78 = arith.constant 0 : i32
    %dma_start3A_79 = arith.constant 0 : i32
    %dma_start3A_80 = tpu.memref_slice %arg2[%dma_start3A_78, %dma_start3A_79] : memref<100000x64xf32, #tpu.memory_space<hbm>> -> memref<100000x64xf32, #tpu.memory_space<hbm>>
    tpu.enqueue_indirect_dma source(%dma_start3A_80 : memref<100000x64xf32, #tpu.memory_space<hbm>>) target(%arg8 : memref<128x64xf32, #tpu.memory_space<vmem>>) offsets(%dma_start3A_77 : memref<128xi32, #tpu.memory_space<vmem>>) semaphore(%arg12 : memref<!tpu.dma_semaphore, #tpu.memory_space<semaphore_mem>>)
    %dma_wait3A_81 = arith.constant 384 : i32
    %dma_wait3A_82 = tpu.memref_slice %arg5[%dma_wait3A_81] : memref<2560xi32, #tpu.memory_space<vmem>> -> memref<128xi32, #tpu.memory_space<vmem>>
    %dma_wait3A_83 = arith.constant 0 : i32
    %dma_wait3A_84 = arith.constant 0 : i32
    %dma_wait3A_85 = tpu.memref_slice %arg2[%dma_wait3A_83, %dma_wait3A_84] : memref<100000x64xf32, #tpu.memory_space<hbm>> -> memref<100000x64xf32, #tpu.memory_space<hbm>>
    tpu.wait_indirect_dma semaphore(%arg13 : memref<!tpu.dma_semaphore, #tpu.memory_space<semaphore_mem>>) src(%dma_wait3A_85 : memref<100000x64xf32, #tpu.memory_space<hbm>>) dst(%arg9 : memref<128x64xf32, #tpu.memory_space<vmem>>)
    %add3A_86 = arith.constant 384 : i32
    %add3A_87 = arith.addi %mul3A_2, %add3A_86 : i32
    %dma_start3A_88 = arith.constant 0 : i32
    %dma_start3A_89 = tpu.memref_slice %arg4[%add3A_87, %dma_start3A_88] : memref<81920x128xf32, #tpu.memory_space<hbm>> -> memref<128x64xf32, #tpu.memory_space<hbm>>
    %dma_start3A_90 = arith.constant 0 : i32
    %dma_start3A_91 = tpu.memref_slice %arg4[%add3A_87, %dma_start3A_90] : memref<81920x128xf32, #tpu.memory_space<hbm>> -> memref<128x64xf32, #tpu.memory_space<hbm>>
    tpu.enqueue_dma source(%arg9 : memref<128x64xf32, #tpu.memory_space<vmem>>) target(%dma_start3A_91 : memref<128x64xf32, #tpu.memory_space<hbm>>) target_semaphore(%arg17 : memref<!tpu.dma_semaphore, #tpu.memory_space<semaphore_mem>>)
    %dma_wait3A_92 = arith.constant 0 : i32
    %dma_wait3A_93 = tpu.memref_slice %arg4[%add3A_87, %dma_wait3A_92] : memref<81920x128xf32, #tpu.memory_space<hbm>> -> memref<128x64xf32, #tpu.memory_space<hbm>>
    %dma_wait3A_94 = arith.constant 0 : i32
    %dma_wait3A_95 = tpu.memref_slice %arg4[%add3A_87, %dma_wait3A_94] : memref<81920x128xf32, #tpu.memory_space<hbm>> -> memref<128x64xf32, #tpu.memory_space<hbm>>
    tpu.wait_dma2 semaphore(%arg17 : memref<!tpu.dma_semaphore, #tpu.memory_space<semaphore_mem>>) src(%arg9 : memref<128x64xf32, #tpu.memory_space<vmem>>) dst(%dma_wait3A_95 : memref<128x64xf32, #tpu.memory_space<hbm>>)
    %dma_start3A_96 = arith.constant 896 : i32
    %dma_start3A_97 = tpu.memref_slice %arg5[%dma_start3A_96] : memref<2560xi32, #tpu.memory_space<vmem>> -> memref<128xi32, #tpu.memory_space<vmem>>
    %dma_start3A_98 = arith.constant 0 : i32
    %dma_start3A_99 = arith.constant 0 : i32
    %dma_start3A_100 = tpu.memref_slice %arg2[%dma_start3A_98, %dma_start3A_99] : memref<100000x64xf32, #tpu.memory_space<hbm>> -> memref<100000x64xf32, #tpu.memory_space<hbm>>
    tpu.enqueue_indirect_dma source(%dma_start3A_100 : memref<100000x64xf32, #tpu.memory_space<hbm>>) target(%arg9 : memref<128x64xf32, #tpu.memory_space<vmem>>) offsets(%dma_start3A_97 : memref<128xi32, #tpu.memory_space<vmem>>) semaphore(%arg13 : memref<!tpu.dma_semaphore, #tpu.memory_space<semaphore_mem>>)
    %dma_wait3A_101 = arith.constant 512 : i32
    %dma_wait3A_102 = tpu.memref_slice %arg5[%dma_wait3A_101] : memref<2560xi32, #tpu.memory_space<vmem>> -> memref<128xi32, #tpu.memory_space<vmem>>
    %dma_wait3A_103 = arith.constant 0 : i32
    %dma_wait3A_104 = arith.constant 0 : i32
    %dma_wait3A_105 = tpu.memref_slice %arg2[%dma_wait3A_103, %dma_wait3A_104] : memref<100000x64xf32, #tpu.memory_space<hbm>> -> memref<100000x64xf32, #tpu.memory_space<hbm>>
    tpu.wait_indirect_dma semaphore(%arg10 : memref<!tpu.dma_semaphore, #tpu.memory_space<semaphore_mem>>) src(%dma_wait3A_105 : memref<100000x64xf32, #tpu.memory_space<hbm>>) dst(%arg6 : memref<128x64xf32, #tpu.memory_space<vmem>>)
    %add3A_106 = arith.constant 512 : i32
    %add3A_107 = arith.addi %mul3A_2, %add3A_106 : i32
    %dma_start3A_108 = arith.constant 0 : i32
    %dma_start3A_109 = tpu.memref_slice %arg4[%add3A_107, %dma_start3A_108] : memref<81920x128xf32, #tpu.memory_space<hbm>> -> memref<128x64xf32, #tpu.memory_space<hbm>>
    %dma_start3A_110 = arith.constant 0 : i32
    %dma_start3A_111 = tpu.memref_slice %arg4[%add3A_107, %dma_start3A_110] : memref<81920x128xf32, #tpu.memory_space<hbm>> -> memref<128x64xf32, #tpu.memory_space<hbm>>
    tpu.enqueue_dma source(%arg6 : memref<128x64xf32, #tpu.memory_space<vmem>>) target(%dma_start3A_111 : memref<128x64xf32, #tpu.memory_space<hbm>>) target_semaphore(%arg14 : memref<!tpu.dma_semaphore, #tpu.memory_space<semaphore_mem>>)
    %dma_wait3A_112 = arith.constant 0 : i32
    %dma_wait3A_113 = tpu.memref_slice %arg4[%add3A_107, %dma_wait3A_112] : memref<81920x128xf32, #tpu.memory_space<hbm>> -> memref<128x64xf32, #tpu.memory_space<hbm>>
    %dma_wait3A_114 = arith.constant 0 : i32
    %dma_wait3A_115 = tpu.memref_slice %arg4[%add3A_107, %dma_wait3A_114] : memref<81920x128xf32, #tpu.memory_space<hbm>> -> memref<128x64xf32, #tpu.memory_space<hbm>>
    tpu.wait_dma2 semaphore(%arg14 : memref<!tpu.dma_semaphore, #tpu.memory_space<semaphore_mem>>) src(%arg6 : memref<128x64xf32, #tpu.memory_space<vmem>>) dst(%dma_wait3A_115 : memref<128x64xf32, #tpu.memory_space<hbm>>)
    %dma_start3A_116 = arith.constant 1024 : i32
    %dma_start3A_117 = tpu.memref_slice %arg5[%dma_start3A_116] : memref<2560xi32, #tpu.memory_space<vmem>> -> memref<128xi32, #tpu.memory_space<vmem>>
    %dma_start3A_118 = arith.constant 0 : i32
    %dma_start3A_119 = arith.constant 0 : i32
    %dma_start3A_120 = tpu.memref_slice %arg2[%dma_start3A_118, %dma_start3A_119] : memref<100000x64xf32, #tpu.memory_space<hbm>> -> memref<100000x64xf32, #tpu.memory_space<hbm>>
    tpu.enqueue_indirect_dma source(%dma_start3A_120 : memref<100000x64xf32, #tpu.memory_space<hbm>>) target(%arg6 : memref<128x64xf32, #tpu.memory_space<vmem>>) offsets(%dma_start3A_117 : memref<128xi32, #tpu.memory_space<vmem>>) semaphore(%arg10 : memref<!tpu.dma_semaphore, #tpu.memory_space<semaphore_mem>>)
    %dma_wait3A_121 = arith.constant 640 : i32
    %dma_wait3A_122 = tpu.memref_slice %arg5[%dma_wait3A_121] : memref<2560xi32, #tpu.memory_space<vmem>> -> memref<128xi32, #tpu.memory_space<vmem>>
    %dma_wait3A_123 = arith.constant 0 : i32
    %dma_wait3A_124 = arith.constant 0 : i32
    %dma_wait3A_125 = tpu.memref_slice %arg2[%dma_wait3A_123, %dma_wait3A_124] : memref<100000x64xf32, #tpu.memory_space<hbm>> -> memref<100000x64xf32, #tpu.memory_space<hbm>>
    tpu.wait_indirect_dma semaphore(%arg11 : memref<!tpu.dma_semaphore, #tpu.memory_space<semaphore_mem>>) src(%dma_wait3A_125 : memref<100000x64xf32, #tpu.memory_space<hbm>>) dst(%arg7 : memref<128x64xf32, #tpu.memory_space<vmem>>)
    %add3A_126 = arith.constant 640 : i32
    %add3A_127 = arith.addi %mul3A_2, %add3A_126 : i32
    %dma_start3A_128 = arith.constant 0 : i32
    %dma_start3A_129 = tpu.memref_slice %arg4[%add3A_127, %dma_start3A_128] : memref<81920x128xf32, #tpu.memory_space<hbm>> -> memref<128x64xf32, #tpu.memory_space<hbm>>
    %dma_start3A_130 = arith.constant 0 : i32
    %dma_start3A_131 = tpu.memref_slice %arg4[%add3A_127, %dma_start3A_130] : memref<81920x128xf32, #tpu.memory_space<hbm>> -> memref<128x64xf32, #tpu.memory_space<hbm>>
    tpu.enqueue_dma source(%arg7 : memref<128x64xf32, #tpu.memory_space<vmem>>) target(%dma_start3A_131 : memref<128x64xf32, #tpu.memory_space<hbm>>) target_semaphore(%arg15 : memref<!tpu.dma_semaphore, #tpu.memory_space<semaphore_mem>>)
    %dma_wait3A_132 = arith.constant 0 : i32
    %dma_wait3A_133 = tpu.memref_slice %arg4[%add3A_127, %dma_wait3A_132] : memref<81920x128xf32, #tpu.memory_space<hbm>> -> memref<128x64xf32, #tpu.memory_space<hbm>>
    %dma_wait3A_134 = arith.constant 0 : i32
    %dma_wait3A_135 = tpu.memref_slice %arg4[%add3A_127, %dma_wait3A_134] : memref<81920x128xf32, #tpu.memory_space<hbm>> -> memref<128x64xf32, #tpu.memory_space<hbm>>
    tpu.wait_dma2 semaphore(%arg15 : memref<!tpu.dma_semaphore, #tpu.memory_space<semaphore_mem>>) src(%arg7 : memref<128x64xf32, #tpu.memory_space<vmem>>) dst(%dma_wait3A_135 : memref<128x64xf32, #tpu.memory_space<hbm>>)
    %dma_start3A_136 = arith.constant 1152 : i32
    %dma_start3A_137 = tpu.memref_slice %arg5[%dma_start3A_136] : memref<2560xi32, #tpu.memory_space<vmem>> -> memref<128xi32, #tpu.memory_space<vmem>>
    %dma_start3A_138 = arith.constant 0 : i32
    %dma_start3A_139 = arith.constant 0 : i32
    %dma_start3A_140 = tpu.memref_slice %arg2[%dma_start3A_138, %dma_start3A_139] : memref<100000x64xf32, #tpu.memory_space<hbm>> -> memref<100000x64xf32, #tpu.memory_space<hbm>>
    tpu.enqueue_indirect_dma source(%dma_start3A_140 : memref<100000x64xf32, #tpu.memory_space<hbm>>) target(%arg7 : memref<128x64xf32, #tpu.memory_space<vmem>>) offsets(%dma_start3A_137 : memref<128xi32, #tpu.memory_space<vmem>>) semaphore(%arg11 : memref<!tpu.dma_semaphore, #tpu.memory_space<semaphore_mem>>)
    %dma_wait3A_141 = arith.constant 768 : i32
    %dma_wait3A_142 = tpu.memref_slice %arg5[%dma_wait3A_141] : memref<2560xi32, #tpu.memory_space<vmem>> -> memref<128xi32, #tpu.memory_space<vmem>>
    %dma_wait3A_143 = arith.constant 0 : i32
    %dma_wait3A_144 = arith.constant 0 : i32
    %dma_wait3A_145 = tpu.memref_slice %arg2[%dma_wait3A_143, %dma_wait3A_144] : memref<100000x64xf32, #tpu.memory_space<hbm>> -> memref<100000x64xf32, #tpu.memory_space<hbm>>
    tpu.wait_indirect_dma semaphore(%arg12 : memref<!tpu.dma_semaphore, #tpu.memory_space<semaphore_mem>>) src(%dma_wait3A_145 : memref<100000x64xf32, #tpu.memory_space<hbm>>) dst(%arg8 : memref<128x64xf32, #tpu.memory_space<vmem>>)
    %add3A_146 = arith.constant 768 : i32
    %add3A_147 = arith.addi %mul3A_2, %add3A_146 : i32
    %dma_start3A_148 = arith.constant 0 : i32
    %dma_start3A_149 = tpu.memref_slice %arg4[%add3A_147, %dma_start3A_148] : memref<81920x128xf32, #tpu.memory_space<hbm>> -> memref<128x64xf32, #tpu.memory_space<hbm>>
    %dma_start3A_150 = arith.constant 0 : i32
    %dma_start3A_151 = tpu.memref_slice %arg4[%add3A_147, %dma_start3A_150] : memref<81920x128xf32, #tpu.memory_space<hbm>> -> memref<128x64xf32, #tpu.memory_space<hbm>>
    tpu.enqueue_dma source(%arg8 : memref<128x64xf32, #tpu.memory_space<vmem>>) target(%dma_start3A_151 : memref<128x64xf32, #tpu.memory_space<hbm>>) target_semaphore(%arg16 : memref<!tpu.dma_semaphore, #tpu.memory_space<semaphore_mem>>)
    %dma_wait3A_152 = arith.constant 0 : i32
    %dma_wait3A_153 = tpu.memref_slice %arg4[%add3A_147, %dma_wait3A_152] : memref<81920x128xf32, #tpu.memory_space<hbm>> -> memref<128x64xf32, #tpu.memory_space<hbm>>
    %dma_wait3A_154 = arith.constant 0 : i32
    %dma_wait3A_155 = tpu.memref_slice %arg4[%add3A_147, %dma_wait3A_154] : memref<81920x128xf32, #tpu.memory_space<hbm>> -> memref<128x64xf32, #tpu.memory_space<hbm>>
    tpu.wait_dma2 semaphore(%arg16 : memref<!tpu.dma_semaphore, #tpu.memory_space<semaphore_mem>>) src(%arg8 : memref<128x64xf32, #tpu.memory_space<vmem>>) dst(%dma_wait3A_155 : memref<128x64xf32, #tpu.memory_space<hbm>>)
    %dma_start3A_156 = arith.constant 1280 : i32
    %dma_start3A_157 = tpu.memref_slice %arg5[%dma_start3A_156] : memref<2560xi32, #tpu.memory_space<vmem>> -> memref<128xi32, #tpu.memory_space<vmem>>
    %dma_start3A_158 = arith.constant 0 : i32
    %dma_start3A_159 = arith.constant 0 : i32
    %dma_start3A_160 = tpu.memref_slice %arg2[%dma_start3A_158, %dma_start3A_159] : memref<100000x64xf32, #tpu.memory_space<hbm>> -> memref<100000x64xf32, #tpu.memory_space<hbm>>
    tpu.enqueue_indirect_dma source(%dma_start3A_160 : memref<100000x64xf32, #tpu.memory_space<hbm>>) target(%arg8 : memref<128x64xf32, #tpu.memory_space<vmem>>) offsets(%dma_start3A_157 : memref<128xi32, #tpu.memory_space<vmem>>) semaphore(%arg12 : memref<!tpu.dma_semaphore, #tpu.memory_space<semaphore_mem>>)
    %dma_wait3A_161 = arith.constant 896 : i32
    %dma_wait3A_162 = tpu.memref_slice %arg5[%dma_wait3A_161] : memref<2560xi32, #tpu.memory_space<vmem>> -> memref<128xi32, #tpu.memory_space<vmem>>
    %dma_wait3A_163 = arith.constant 0 : i32
    %dma_wait3A_164 = arith.constant 0 : i32
    %dma_wait3A_165 = tpu.memref_slice %arg2[%dma_wait3A_163, %dma_wait3A_164] : memref<100000x64xf32, #tpu.memory_space<hbm>> -> memref<100000x64xf32, #tpu.memory_space<hbm>>
    tpu.wait_indirect_dma semaphore(%arg13 : memref<!tpu.dma_semaphore, #tpu.memory_space<semaphore_mem>>) src(%dma_wait3A_165 : memref<100000x64xf32, #tpu.memory_space<hbm>>) dst(%arg9 : memref<128x64xf32, #tpu.memory_space<vmem>>)
    %add3A_166 = arith.constant 896 : i32
    %add3A_167 = arith.addi %mul3A_2, %add3A_166 : i32
    %dma_start3A_168 = arith.constant 0 : i32
    %dma_start3A_169 = tpu.memref_slice %arg4[%add3A_167, %dma_start3A_168] : memref<81920x128xf32, #tpu.memory_space<hbm>> -> memref<128x64xf32, #tpu.memory_space<hbm>>
    %dma_start3A_170 = arith.constant 0 : i32
    %dma_start3A_171 = tpu.memref_slice %arg4[%add3A_167, %dma_start3A_170] : memref<81920x128xf32, #tpu.memory_space<hbm>> -> memref<128x64xf32, #tpu.memory_space<hbm>>
    tpu.enqueue_dma source(%arg9 : memref<128x64xf32, #tpu.memory_space<vmem>>) target(%dma_start3A_171 : memref<128x64xf32, #tpu.memory_space<hbm>>) target_semaphore(%arg17 : memref<!tpu.dma_semaphore, #tpu.memory_space<semaphore_mem>>)
    %dma_wait3A_172 = arith.constant 0 : i32
    %dma_wait3A_173 = tpu.memref_slice %arg4[%add3A_167, %dma_wait3A_172] : memref<81920x128xf32, #tpu.memory_space<hbm>> -> memref<128x64xf32, #tpu.memory_space<hbm>>
    %dma_wait3A_174 = arith.constant 0 : i32
    %dma_wait3A_175 = tpu.memref_slice %arg4[%add3A_167, %dma_wait3A_174] : memref<81920x128xf32, #tpu.memory_space<hbm>> -> memref<128x64xf32, #tpu.memory_space<hbm>>
    tpu.wait_dma2 semaphore(%arg17 : memref<!tpu.dma_semaphore, #tpu.memory_space<semaphore_mem>>) src(%arg9 : memref<128x64xf32, #tpu.memory_space<vmem>>) dst(%dma_wait3A_175 : memref<128x64xf32, #tpu.memory_space<hbm>>)
    %dma_start3A_176 = arith.constant 1408 : i32
    %dma_start3A_177 = tpu.memref_slice %arg5[%dma_start3A_176] : memref<2560xi32, #tpu.memory_space<vmem>> -> memref<128xi32, #tpu.memory_space<vmem>>
    %dma_start3A_178 = arith.constant 0 : i32
    %dma_start3A_179 = arith.constant 0 : i32
    %dma_start3A_180 = tpu.memref_slice %arg2[%dma_start3A_178, %dma_start3A_179] : memref<100000x64xf32, #tpu.memory_space<hbm>> -> memref<100000x64xf32, #tpu.memory_space<hbm>>
    tpu.enqueue_indirect_dma source(%dma_start3A_180 : memref<100000x64xf32, #tpu.memory_space<hbm>>) target(%arg9 : memref<128x64xf32, #tpu.memory_space<vmem>>) offsets(%dma_start3A_177 : memref<128xi32, #tpu.memory_space<vmem>>) semaphore(%arg13 : memref<!tpu.dma_semaphore, #tpu.memory_space<semaphore_mem>>)
    %dma_wait3A_181 = arith.constant 1024 : i32
    %dma_wait3A_182 = tpu.memref_slice %arg5[%dma_wait3A_181] : memref<2560xi32, #tpu.memory_space<vmem>> -> memref<128xi32, #tpu.memory_space<vmem>>
    %dma_wait3A_183 = arith.constant 0 : i32
    %dma_wait3A_184 = arith.constant 0 : i32
    %dma_wait3A_185 = tpu.memref_slice %arg2[%dma_wait3A_183, %dma_wait3A_184] : memref<100000x64xf32, #tpu.memory_space<hbm>> -> memref<100000x64xf32, #tpu.memory_space<hbm>>
    tpu.wait_indirect_dma semaphore(%arg10 : memref<!tpu.dma_semaphore, #tpu.memory_space<semaphore_mem>>) src(%dma_wait3A_185 : memref<100000x64xf32, #tpu.memory_space<hbm>>) dst(%arg6 : memref<128x64xf32, #tpu.memory_space<vmem>>)
    %add3A_186 = arith.constant 1024 : i32
    %add3A_187 = arith.addi %mul3A_2, %add3A_186 : i32
    %dma_start3A_188 = arith.constant 0 : i32
    %dma_start3A_189 = tpu.memref_slice %arg4[%add3A_187, %dma_start3A_188] : memref<81920x128xf32, #tpu.memory_space<hbm>> -> memref<128x64xf32, #tpu.memory_space<hbm>>
    %dma_start3A_190 = arith.constant 0 : i32
    %dma_start3A_191 = tpu.memref_slice %arg4[%add3A_187, %dma_start3A_190] : memref<81920x128xf32, #tpu.memory_space<hbm>> -> memref<128x64xf32, #tpu.memory_space<hbm>>
    tpu.enqueue_dma source(%arg6 : memref<128x64xf32, #tpu.memory_space<vmem>>) target(%dma_start3A_191 : memref<128x64xf32, #tpu.memory_space<hbm>>) target_semaphore(%arg14 : memref<!tpu.dma_semaphore, #tpu.memory_space<semaphore_mem>>)
    %dma_wait3A_192 = arith.constant 0 : i32
    %dma_wait3A_193 = tpu.memref_slice %arg4[%add3A_187, %dma_wait3A_192] : memref<81920x128xf32, #tpu.memory_space<hbm>> -> memref<128x64xf32, #tpu.memory_space<hbm>>
    %dma_wait3A_194 = arith.constant 0 : i32
    %dma_wait3A_195 = tpu.memref_slice %arg4[%add3A_187, %dma_wait3A_194] : memref<81920x128xf32, #tpu.memory_space<hbm>> -> memref<128x64xf32, #tpu.memory_space<hbm>>
    tpu.wait_dma2 semaphore(%arg14 : memref<!tpu.dma_semaphore, #tpu.memory_space<semaphore_mem>>) src(%arg6 : memref<128x64xf32, #tpu.memory_space<vmem>>) dst(%dma_wait3A_195 : memref<128x64xf32, #tpu.memory_space<hbm>>)
    %dma_start3A_196 = arith.constant 1536 : i32
    %dma_start3A_197 = tpu.memref_slice %arg5[%dma_start3A_196] : memref<2560xi32, #tpu.memory_space<vmem>> -> memref<128xi32, #tpu.memory_space<vmem>>
    %dma_start3A_198 = arith.constant 0 : i32
    %dma_start3A_199 = arith.constant 0 : i32
    %dma_start3A_200 = tpu.memref_slice %arg2[%dma_start3A_198, %dma_start3A_199] : memref<100000x64xf32, #tpu.memory_space<hbm>> -> memref<100000x64xf32, #tpu.memory_space<hbm>>
    tpu.enqueue_indirect_dma source(%dma_start3A_200 : memref<100000x64xf32, #tpu.memory_space<hbm>>) target(%arg6 : memref<128x64xf32, #tpu.memory_space<vmem>>) offsets(%dma_start3A_197 : memref<128xi32, #tpu.memory_space<vmem>>) semaphore(%arg10 : memref<!tpu.dma_semaphore, #tpu.memory_space<semaphore_mem>>)
    %dma_wait3A_201 = arith.constant 1152 : i32
    %dma_wait3A_202 = tpu.memref_slice %arg5[%dma_wait3A_201] : memref<2560xi32, #tpu.memory_space<vmem>> -> memref<128xi32, #tpu.memory_space<vmem>>
    %dma_wait3A_203 = arith.constant 0 : i32
    %dma_wait3A_204 = arith.constant 0 : i32
    %dma_wait3A_205 = tpu.memref_slice %arg2[%dma_wait3A_203, %dma_wait3A_204] : memref<100000x64xf32, #tpu.memory_space<hbm>> -> memref<100000x64xf32, #tpu.memory_space<hbm>>
    tpu.wait_indirect_dma semaphore(%arg11 : memref<!tpu.dma_semaphore, #tpu.memory_space<semaphore_mem>>) src(%dma_wait3A_205 : memref<100000x64xf32, #tpu.memory_space<hbm>>) dst(%arg7 : memref<128x64xf32, #tpu.memory_space<vmem>>)
    %add3A_206 = arith.constant 1152 : i32
    %add3A_207 = arith.addi %mul3A_2, %add3A_206 : i32
    %dma_start3A_208 = arith.constant 0 : i32
    %dma_start3A_209 = tpu.memref_slice %arg4[%add3A_207, %dma_start3A_208] : memref<81920x128xf32, #tpu.memory_space<hbm>> -> memref<128x64xf32, #tpu.memory_space<hbm>>
    %dma_start3A_210 = arith.constant 0 : i32
    %dma_start3A_211 = tpu.memref_slice %arg4[%add3A_207, %dma_start3A_210] : memref<81920x128xf32, #tpu.memory_space<hbm>> -> memref<128x64xf32, #tpu.memory_space<hbm>>
    tpu.enqueue_dma source(%arg7 : memref<128x64xf32, #tpu.memory_space<vmem>>) target(%dma_start3A_211 : memref<128x64xf32, #tpu.memory_space<hbm>>) target_semaphore(%arg15 : memref<!tpu.dma_semaphore, #tpu.memory_space<semaphore_mem>>)
    %dma_wait3A_212 = arith.constant 0 : i32
    %dma_wait3A_213 = tpu.memref_slice %arg4[%add3A_207, %dma_wait3A_212] : memref<81920x128xf32, #tpu.memory_space<hbm>> -> memref<128x64xf32, #tpu.memory_space<hbm>>
    %dma_wait3A_214 = arith.constant 0 : i32
    %dma_wait3A_215 = tpu.memref_slice %arg4[%add3A_207, %dma_wait3A_214] : memref<81920x128xf32, #tpu.memory_space<hbm>> -> memref<128x64xf32, #tpu.memory_space<hbm>>
    tpu.wait_dma2 semaphore(%arg15 : memref<!tpu.dma_semaphore, #tpu.memory_space<semaphore_mem>>) src(%arg7 : memref<128x64xf32, #tpu.memory_space<vmem>>) dst(%dma_wait3A_215 : memref<128x64xf32, #tpu.memory_space<hbm>>)
    %dma_start3A_216 = arith.constant 1664 : i32
    %dma_start3A_217 = tpu.memref_slice %arg5[%dma_start3A_216] : memref<2560xi32, #tpu.memory_space<vmem>> -> memref<128xi32, #tpu.memory_space<vmem>>
    %dma_start3A_218 = arith.constant 0 : i32
    %dma_start3A_219 = arith.constant 0 : i32
    %dma_start3A_220 = tpu.memref_slice %arg2[%dma_start3A_218, %dma_start3A_219] : memref<100000x64xf32, #tpu.memory_space<hbm>> -> memref<100000x64xf32, #tpu.memory_space<hbm>>
    tpu.enqueue_indirect_dma source(%dma_start3A_220 : memref<100000x64xf32, #tpu.memory_space<hbm>>) target(%arg7 : memref<128x64xf32, #tpu.memory_space<vmem>>) offsets(%dma_start3A_217 : memref<128xi32, #tpu.memory_space<vmem>>) semaphore(%arg11 : memref<!tpu.dma_semaphore, #tpu.memory_space<semaphore_mem>>)
    %dma_wait3A_221 = arith.constant 1280 : i32
    %dma_wait3A_222 = tpu.memref_slice %arg5[%dma_wait3A_221] : memref<2560xi32, #tpu.memory_space<vmem>> -> memref<128xi32, #tpu.memory_space<vmem>>
    %dma_wait3A_223 = arith.constant 0 : i32
    %dma_wait3A_224 = arith.constant 0 : i32
    %dma_wait3A_225 = tpu.memref_slice %arg2[%dma_wait3A_223, %dma_wait3A_224] : memref<100000x64xf32, #tpu.memory_space<hbm>> -> memref<100000x64xf32, #tpu.memory_space<hbm>>
    tpu.wait_indirect_dma semaphore(%arg12 : memref<!tpu.dma_semaphore, #tpu.memory_space<semaphore_mem>>) src(%dma_wait3A_225 : memref<100000x64xf32, #tpu.memory_space<hbm>>) dst(%arg8 : memref<128x64xf32, #tpu.memory_space<vmem>>)
    %add3A_226 = arith.constant 1280 : i32
    %add3A_227 = arith.addi %mul3A_2, %add3A_226 : i32
    %dma_start3A_228 = arith.constant 0 : i32
    %dma_start3A_229 = tpu.memref_slice %arg4[%add3A_227, %dma_start3A_228] : memref<81920x128xf32, #tpu.memory_space<hbm>> -> memref<128x64xf32, #tpu.memory_space<hbm>>
    %dma_start3A_230 = arith.constant 0 : i32
    %dma_start3A_231 = tpu.memref_slice %arg4[%add3A_227, %dma_start3A_230] : memref<81920x128xf32, #tpu.memory_space<hbm>> -> memref<128x64xf32, #tpu.memory_space<hbm>>
    tpu.enqueue_dma source(%arg8 : memref<128x64xf32, #tpu.memory_space<vmem>>) target(%dma_start3A_231 : memref<128x64xf32, #tpu.memory_space<hbm>>) target_semaphore(%arg16 : memref<!tpu.dma_semaphore, #tpu.memory_space<semaphore_mem>>)
    %dma_wait3A_232 = arith.constant 0 : i32
    %dma_wait3A_233 = tpu.memref_slice %arg4[%add3A_227, %dma_wait3A_232] : memref<81920x128xf32, #tpu.memory_space<hbm>> -> memref<128x64xf32, #tpu.memory_space<hbm>>
    %dma_wait3A_234 = arith.constant 0 : i32
    %dma_wait3A_235 = tpu.memref_slice %arg4[%add3A_227, %dma_wait3A_234] : memref<81920x128xf32, #tpu.memory_space<hbm>> -> memref<128x64xf32, #tpu.memory_space<hbm>>
    tpu.wait_dma2 semaphore(%arg16 : memref<!tpu.dma_semaphore, #tpu.memory_space<semaphore_mem>>) src(%arg8 : memref<128x64xf32, #tpu.memory_space<vmem>>) dst(%dma_wait3A_235 : memref<128x64xf32, #tpu.memory_space<hbm>>)
    %dma_start3A_236 = arith.constant 1792 : i32
    %dma_start3A_237 = tpu.memref_slice %arg5[%dma_start3A_236] : memref<2560xi32, #tpu.memory_space<vmem>> -> memref<128xi32, #tpu.memory_space<vmem>>
    %dma_start3A_238 = arith.constant 0 : i32
    %dma_start3A_239 = arith.constant 0 : i32
    %dma_start3A_240 = tpu.memref_slice %arg2[%dma_start3A_238, %dma_start3A_239] : memref<100000x64xf32, #tpu.memory_space<hbm>> -> memref<100000x64xf32, #tpu.memory_space<hbm>>
    tpu.enqueue_indirect_dma source(%dma_start3A_240 : memref<100000x64xf32, #tpu.memory_space<hbm>>) target(%arg8 : memref<128x64xf32, #tpu.memory_space<vmem>>) offsets(%dma_start3A_237 : memref<128xi32, #tpu.memory_space<vmem>>) semaphore(%arg12 : memref<!tpu.dma_semaphore, #tpu.memory_space<semaphore_mem>>)
    %dma_wait3A_241 = arith.constant 1408 : i32
    %dma_wait3A_242 = tpu.memref_slice %arg5[%dma_wait3A_241] : memref<2560xi32, #tpu.memory_space<vmem>> -> memref<128xi32, #tpu.memory_space<vmem>>
    %dma_wait3A_243 = arith.constant 0 : i32
    %dma_wait3A_244 = arith.constant 0 : i32
    %dma_wait3A_245 = tpu.memref_slice %arg2[%dma_wait3A_243, %dma_wait3A_244] : memref<100000x64xf32, #tpu.memory_space<hbm>> -> memref<100000x64xf32, #tpu.memory_space<hbm>>
    tpu.wait_indirect_dma semaphore(%arg13 : memref<!tpu.dma_semaphore, #tpu.memory_space<semaphore_mem>>) src(%dma_wait3A_245 : memref<100000x64xf32, #tpu.memory_space<hbm>>) dst(%arg9 : memref<128x64xf32, #tpu.memory_space<vmem>>)
    %add3A_246 = arith.constant 1408 : i32
    %add3A_247 = arith.addi %mul3A_2, %add3A_246 : i32
    %dma_start3A_248 = arith.constant 0 : i32
    %dma_start3A_249 = tpu.memref_slice %arg4[%add3A_247, %dma_start3A_248] : memref<81920x128xf32, #tpu.memory_space<hbm>> -> memref<128x64xf32, #tpu.memory_space<hbm>>
    %dma_start3A_250 = arith.constant 0 : i32
    %dma_start3A_251 = tpu.memref_slice %arg4[%add3A_247, %dma_start3A_250] : memref<81920x128xf32, #tpu.memory_space<hbm>> -> memref<128x64xf32, #tpu.memory_space<hbm>>
    tpu.enqueue_dma source(%arg9 : memref<128x64xf32, #tpu.memory_space<vmem>>) target(%dma_start3A_251 : memref<128x64xf32, #tpu.memory_space<hbm>>) target_semaphore(%arg17 : memref<!tpu.dma_semaphore, #tpu.memory_space<semaphore_mem>>)
    %dma_wait3A_252 = arith.constant 0 : i32
    %dma_wait3A_253 = tpu.memref_slice %arg4[%add3A_247, %dma_wait3A_252] : memref<81920x128xf32, #tpu.memory_space<hbm>> -> memref<128x64xf32, #tpu.memory_space<hbm>>
    %dma_wait3A_254 = arith.constant 0 : i32
    %dma_wait3A_255 = tpu.memref_slice %arg4[%add3A_247, %dma_wait3A_254] : memref<81920x128xf32, #tpu.memory_space<hbm>> -> memref<128x64xf32, #tpu.memory_space<hbm>>
    tpu.wait_dma2 semaphore(%arg17 : memref<!tpu.dma_semaphore, #tpu.memory_space<semaphore_mem>>) src(%arg9 : memref<128x64xf32, #tpu.memory_space<vmem>>) dst(%dma_wait3A_255 : memref<128x64xf32, #tpu.memory_space<hbm>>)
    %dma_start3A_256 = arith.constant 1920 : i32
    %dma_start3A_257 = tpu.memref_slice %arg5[%dma_start3A_256] : memref<2560xi32, #tpu.memory_space<vmem>> -> memref<128xi32, #tpu.memory_space<vmem>>
    %dma_start3A_258 = arith.constant 0 : i32
    %dma_start3A_259 = arith.constant 0 : i32
    %dma_start3A_260 = tpu.memref_slice %arg2[%dma_start3A_258, %dma_start3A_259] : memref<100000x64xf32, #tpu.memory_space<hbm>> -> memref<100000x64xf32, #tpu.memory_space<hbm>>
    tpu.enqueue_indirect_dma source(%dma_start3A_260 : memref<100000x64xf32, #tpu.memory_space<hbm>>) target(%arg9 : memref<128x64xf32, #tpu.memory_space<vmem>>) offsets(%dma_start3A_257 : memref<128xi32, #tpu.memory_space<vmem>>) semaphore(%arg13 : memref<!tpu.dma_semaphore, #tpu.memory_space<semaphore_mem>>)
    %dma_wait3A_261 = arith.constant 1536 : i32
    %dma_wait3A_262 = tpu.memref_slice %arg5[%dma_wait3A_261] : memref<2560xi32, #tpu.memory_space<vmem>> -> memref<128xi32, #tpu.memory_space<vmem>>
    %dma_wait3A_263 = arith.constant 0 : i32
    %dma_wait3A_264 = arith.constant 0 : i32
    %dma_wait3A_265 = tpu.memref_slice %arg2[%dma_wait3A_263, %dma_wait3A_264] : memref<100000x64xf32, #tpu.memory_space<hbm>> -> memref<100000x64xf32, #tpu.memory_space<hbm>>
    tpu.wait_indirect_dma semaphore(%arg10 : memref<!tpu.dma_semaphore, #tpu.memory_space<semaphore_mem>>) src(%dma_wait3A_265 : memref<100000x64xf32, #tpu.memory_space<hbm>>) dst(%arg6 : memref<128x64xf32, #tpu.memory_space<vmem>>)
    %add3A_266 = arith.constant 1536 : i32
    %add3A_267 = arith.addi %mul3A_2, %add3A_266 : i32
    %dma_start3A_268 = arith.constant 0 : i32
    %dma_start3A_269 = tpu.memref_slice %arg4[%add3A_267, %dma_start3A_268] : memref<81920x128xf32, #tpu.memory_space<hbm>> -> memref<128x64xf32, #tpu.memory_space<hbm>>
    %dma_start3A_270 = arith.constant 0 : i32
    %dma_start3A_271 = tpu.memref_slice %arg4[%add3A_267, %dma_start3A_270] : memref<81920x128xf32, #tpu.memory_space<hbm>> -> memref<128x64xf32, #tpu.memory_space<hbm>>
    tpu.enqueue_dma source(%arg6 : memref<128x64xf32, #tpu.memory_space<vmem>>) target(%dma_start3A_271 : memref<128x64xf32, #tpu.memory_space<hbm>>) target_semaphore(%arg14 : memref<!tpu.dma_semaphore, #tpu.memory_space<semaphore_mem>>)
    %dma_wait3A_272 = arith.constant 0 : i32
    %dma_wait3A_273 = tpu.memref_slice %arg4[%add3A_267, %dma_wait3A_272] : memref<81920x128xf32, #tpu.memory_space<hbm>> -> memref<128x64xf32, #tpu.memory_space<hbm>>
    %dma_wait3A_274 = arith.constant 0 : i32
    %dma_wait3A_275 = tpu.memref_slice %arg4[%add3A_267, %dma_wait3A_274] : memref<81920x128xf32, #tpu.memory_space<hbm>> -> memref<128x64xf32, #tpu.memory_space<hbm>>
    tpu.wait_dma2 semaphore(%arg14 : memref<!tpu.dma_semaphore, #tpu.memory_space<semaphore_mem>>) src(%arg6 : memref<128x64xf32, #tpu.memory_space<vmem>>) dst(%dma_wait3A_275 : memref<128x64xf32, #tpu.memory_space<hbm>>)
    %dma_start3A_276 = arith.constant 2048 : i32
    %dma_start3A_277 = tpu.memref_slice %arg5[%dma_start3A_276] : memref<2560xi32, #tpu.memory_space<vmem>> -> memref<128xi32, #tpu.memory_space<vmem>>
    %dma_start3A_278 = arith.constant 0 : i32
    %dma_start3A_279 = arith.constant 0 : i32
    %dma_start3A_280 = tpu.memref_slice %arg2[%dma_start3A_278, %dma_start3A_279] : memref<100000x64xf32, #tpu.memory_space<hbm>> -> memref<100000x64xf32, #tpu.memory_space<hbm>>
    tpu.enqueue_indirect_dma source(%dma_start3A_280 : memref<100000x64xf32, #tpu.memory_space<hbm>>) target(%arg6 : memref<128x64xf32, #tpu.memory_space<vmem>>) offsets(%dma_start3A_277 : memref<128xi32, #tpu.memory_space<vmem>>) semaphore(%arg10 : memref<!tpu.dma_semaphore, #tpu.memory_space<semaphore_mem>>)
    %dma_wait3A_281 = arith.constant 1664 : i32
    %dma_wait3A_282 = tpu.memref_slice %arg5[%dma_wait3A_281] : memref<2560xi32, #tpu.memory_space<vmem>> -> memref<128xi32, #tpu.memory_space<vmem>>
    %dma_wait3A_283 = arith.constant 0 : i32
    %dma_wait3A_284 = arith.constant 0 : i32
    %dma_wait3A_285 = tpu.memref_slice %arg2[%dma_wait3A_283, %dma_wait3A_284] : memref<100000x64xf32, #tpu.memory_space<hbm>> -> memref<100000x64xf32, #tpu.memory_space<hbm>>
    tpu.wait_indirect_dma semaphore(%arg11 : memref<!tpu.dma_semaphore, #tpu.memory_space<semaphore_mem>>) src(%dma_wait3A_285 : memref<100000x64xf32, #tpu.memory_space<hbm>>) dst(%arg7 : memref<128x64xf32, #tpu.memory_space<vmem>>)
    %add3A_286 = arith.constant 1664 : i32
    %add3A_287 = arith.addi %mul3A_2, %add3A_286 : i32
    %dma_start3A_288 = arith.constant 0 : i32
    %dma_start3A_289 = tpu.memref_slice %arg4[%add3A_287, %dma_start3A_288] : memref<81920x128xf32, #tpu.memory_space<hbm>> -> memref<128x64xf32, #tpu.memory_space<hbm>>
    %dma_start3A_290 = arith.constant 0 : i32
    %dma_start3A_291 = tpu.memref_slice %arg4[%add3A_287, %dma_start3A_290] : memref<81920x128xf32, #tpu.memory_space<hbm>> -> memref<128x64xf32, #tpu.memory_space<hbm>>
    tpu.enqueue_dma source(%arg7 : memref<128x64xf32, #tpu.memory_space<vmem>>) target(%dma_start3A_291 : memref<128x64xf32, #tpu.memory_space<hbm>>) target_semaphore(%arg15 : memref<!tpu.dma_semaphore, #tpu.memory_space<semaphore_mem>>)
    %dma_wait3A_292 = arith.constant 0 : i32
    %dma_wait3A_293 = tpu.memref_slice %arg4[%add3A_287, %dma_wait3A_292] : memref<81920x128xf32, #tpu.memory_space<hbm>> -> memref<128x64xf32, #tpu.memory_space<hbm>>
    %dma_wait3A_294 = arith.constant 0 : i32
    %dma_wait3A_295 = tpu.memref_slice %arg4[%add3A_287, %dma_wait3A_294] : memref<81920x128xf32, #tpu.memory_space<hbm>> -> memref<128x64xf32, #tpu.memory_space<hbm>>
    tpu.wait_dma2 semaphore(%arg15 : memref<!tpu.dma_semaphore, #tpu.memory_space<semaphore_mem>>) src(%arg7 : memref<128x64xf32, #tpu.memory_space<vmem>>) dst(%dma_wait3A_295 : memref<128x64xf32, #tpu.memory_space<hbm>>)
    %dma_start3A_296 = arith.constant 2176 : i32
    %dma_start3A_297 = tpu.memref_slice %arg5[%dma_start3A_296] : memref<2560xi32, #tpu.memory_space<vmem>> -> memref<128xi32, #tpu.memory_space<vmem>>
    %dma_start3A_298 = arith.constant 0 : i32
    %dma_start3A_299 = arith.constant 0 : i32
    %dma_start3A_300 = tpu.memref_slice %arg2[%dma_start3A_298, %dma_start3A_299] : memref<100000x64xf32, #tpu.memory_space<hbm>> -> memref<100000x64xf32, #tpu.memory_space<hbm>>
    tpu.enqueue_indirect_dma source(%dma_start3A_300 : memref<100000x64xf32, #tpu.memory_space<hbm>>) target(%arg7 : memref<128x64xf32, #tpu.memory_space<vmem>>) offsets(%dma_start3A_297 : memref<128xi32, #tpu.memory_space<vmem>>) semaphore(%arg11 : memref<!tpu.dma_semaphore, #tpu.memory_space<semaphore_mem>>)
    %dma_wait3A_301 = arith.constant 1792 : i32
    %dma_wait3A_302 = tpu.memref_slice %arg5[%dma_wait3A_301] : memref<2560xi32, #tpu.memory_space<vmem>> -> memref<128xi32, #tpu.memory_space<vmem>>
    %dma_wait3A_303 = arith.constant 0 : i32
    %dma_wait3A_304 = arith.constant 0 : i32
    %dma_wait3A_305 = tpu.memref_slice %arg2[%dma_wait3A_303, %dma_wait3A_304] : memref<100000x64xf32, #tpu.memory_space<hbm>> -> memref<100000x64xf32, #tpu.memory_space<hbm>>
    tpu.wait_indirect_dma semaphore(%arg12 : memref<!tpu.dma_semaphore, #tpu.memory_space<semaphore_mem>>) src(%dma_wait3A_305 : memref<100000x64xf32, #tpu.memory_space<hbm>>) dst(%arg8 : memref<128x64xf32, #tpu.memory_space<vmem>>)
    %add3A_306 = arith.constant 1792 : i32
    %add3A_307 = arith.addi %mul3A_2, %add3A_306 : i32
    %dma_start3A_308 = arith.constant 0 : i32
    %dma_start3A_309 = tpu.memref_slice %arg4[%add3A_307, %dma_start3A_308] : memref<81920x128xf32, #tpu.memory_space<hbm>> -> memref<128x64xf32, #tpu.memory_space<hbm>>
    %dma_start3A_310 = arith.constant 0 : i32
    %dma_start3A_311 = tpu.memref_slice %arg4[%add3A_307, %dma_start3A_310] : memref<81920x128xf32, #tpu.memory_space<hbm>> -> memref<128x64xf32, #tpu.memory_space<hbm>>
    tpu.enqueue_dma source(%arg8 : memref<128x64xf32, #tpu.memory_space<vmem>>) target(%dma_start3A_311 : memref<128x64xf32, #tpu.memory_space<hbm>>) target_semaphore(%arg16 : memref<!tpu.dma_semaphore, #tpu.memory_space<semaphore_mem>>)
    %dma_wait3A_312 = arith.constant 0 : i32
    %dma_wait3A_313 = tpu.memref_slice %arg4[%add3A_307, %dma_wait3A_312] : memref<81920x128xf32, #tpu.memory_space<hbm>> -> memref<128x64xf32, #tpu.memory_space<hbm>>
    %dma_wait3A_314 = arith.constant 0 : i32
    %dma_wait3A_315 = tpu.memref_slice %arg4[%add3A_307, %dma_wait3A_314] : memref<81920x128xf32, #tpu.memory_space<hbm>> -> memref<128x64xf32, #tpu.memory_space<hbm>>
    tpu.wait_dma2 semaphore(%arg16 : memref<!tpu.dma_semaphore, #tpu.memory_space<semaphore_mem>>) src(%arg8 : memref<128x64xf32, #tpu.memory_space<vmem>>) dst(%dma_wait3A_315 : memref<128x64xf32, #tpu.memory_space<hbm>>)
    %dma_start3A_316 = arith.constant 2304 : i32
    %dma_start3A_317 = tpu.memref_slice %arg5[%dma_start3A_316] : memref<2560xi32, #tpu.memory_space<vmem>> -> memref<128xi32, #tpu.memory_space<vmem>>
    %dma_start3A_318 = arith.constant 0 : i32
    %dma_start3A_319 = arith.constant 0 : i32
    %dma_start3A_320 = tpu.memref_slice %arg2[%dma_start3A_318, %dma_start3A_319] : memref<100000x64xf32, #tpu.memory_space<hbm>> -> memref<100000x64xf32, #tpu.memory_space<hbm>>
    tpu.enqueue_indirect_dma source(%dma_start3A_320 : memref<100000x64xf32, #tpu.memory_space<hbm>>) target(%arg8 : memref<128x64xf32, #tpu.memory_space<vmem>>) offsets(%dma_start3A_317 : memref<128xi32, #tpu.memory_space<vmem>>) semaphore(%arg12 : memref<!tpu.dma_semaphore, #tpu.memory_space<semaphore_mem>>)
    %dma_wait3A_321 = arith.constant 1920 : i32
    %dma_wait3A_322 = tpu.memref_slice %arg5[%dma_wait3A_321] : memref<2560xi32, #tpu.memory_space<vmem>> -> memref<128xi32, #tpu.memory_space<vmem>>
    %dma_wait3A_323 = arith.constant 0 : i32
    %dma_wait3A_324 = arith.constant 0 : i32
    %dma_wait3A_325 = tpu.memref_slice %arg2[%dma_wait3A_323, %dma_wait3A_324] : memref<100000x64xf32, #tpu.memory_space<hbm>> -> memref<100000x64xf32, #tpu.memory_space<hbm>>
    tpu.wait_indirect_dma semaphore(%arg13 : memref<!tpu.dma_semaphore, #tpu.memory_space<semaphore_mem>>) src(%dma_wait3A_325 : memref<100000x64xf32, #tpu.memory_space<hbm>>) dst(%arg9 : memref<128x64xf32, #tpu.memory_space<vmem>>)
    %add3A_326 = arith.constant 1920 : i32
    %add3A_327 = arith.addi %mul3A_2, %add3A_326 : i32
    %dma_start3A_328 = arith.constant 0 : i32
    %dma_start3A_329 = tpu.memref_slice %arg4[%add3A_327, %dma_start3A_328] : memref<81920x128xf32, #tpu.memory_space<hbm>> -> memref<128x64xf32, #tpu.memory_space<hbm>>
    %dma_start3A_330 = arith.constant 0 : i32
    %dma_start3A_331 = tpu.memref_slice %arg4[%add3A_327, %dma_start3A_330] : memref<81920x128xf32, #tpu.memory_space<hbm>> -> memref<128x64xf32, #tpu.memory_space<hbm>>
    tpu.enqueue_dma source(%arg9 : memref<128x64xf32, #tpu.memory_space<vmem>>) target(%dma_start3A_331 : memref<128x64xf32, #tpu.memory_space<hbm>>) target_semaphore(%arg17 : memref<!tpu.dma_semaphore, #tpu.memory_space<semaphore_mem>>)
    %dma_wait3A_332 = arith.constant 0 : i32
    %dma_wait3A_333 = tpu.memref_slice %arg4[%add3A_327, %dma_wait3A_332] : memref<81920x128xf32, #tpu.memory_space<hbm>> -> memref<128x64xf32, #tpu.memory_space<hbm>>
    %dma_wait3A_334 = arith.constant 0 : i32
    %dma_wait3A_335 = tpu.memref_slice %arg4[%add3A_327, %dma_wait3A_334] : memref<81920x128xf32, #tpu.memory_space<hbm>> -> memref<128x64xf32, #tpu.memory_space<hbm>>
    tpu.wait_dma2 semaphore(%arg17 : memref<!tpu.dma_semaphore, #tpu.memory_space<semaphore_mem>>) src(%arg9 : memref<128x64xf32, #tpu.memory_space<vmem>>) dst(%dma_wait3A_335 : memref<128x64xf32, #tpu.memory_space<hbm>>)
    %dma_start3A_336 = arith.constant 2432 : i32
    %dma_start3A_337 = tpu.memref_slice %arg5[%dma_start3A_336] : memref<2560xi32, #tpu.memory_space<vmem>> -> memref<128xi32, #tpu.memory_space<vmem>>
    %dma_start3A_338 = arith.constant 0 : i32
    %dma_start3A_339 = arith.constant 0 : i32
    %dma_start3A_340 = tpu.memref_slice %arg2[%dma_start3A_338, %dma_start3A_339] : memref<100000x64xf32, #tpu.memory_space<hbm>> -> memref<100000x64xf32, #tpu.memory_space<hbm>>
    tpu.enqueue_indirect_dma source(%dma_start3A_340 : memref<100000x64xf32, #tpu.memory_space<hbm>>) target(%arg9 : memref<128x64xf32, #tpu.memory_space<vmem>>) offsets(%dma_start3A_337 : memref<128xi32, #tpu.memory_space<vmem>>) semaphore(%arg13 : memref<!tpu.dma_semaphore, #tpu.memory_space<semaphore_mem>>)
    %dma_wait3A_341 = arith.constant 2048 : i32
    %dma_wait3A_342 = tpu.memref_slice %arg5[%dma_wait3A_341] : memref<2560xi32, #tpu.memory_space<vmem>> -> memref<128xi32, #tpu.memory_space<vmem>>
    %dma_wait3A_343 = arith.constant 0 : i32
    %dma_wait3A_344 = arith.constant 0 : i32
    %dma_wait3A_345 = tpu.memref_slice %arg2[%dma_wait3A_343, %dma_wait3A_344] : memref<100000x64xf32, #tpu.memory_space<hbm>> -> memref<100000x64xf32, #tpu.memory_space<hbm>>
    tpu.wait_indirect_dma semaphore(%arg10 : memref<!tpu.dma_semaphore, #tpu.memory_space<semaphore_mem>>) src(%dma_wait3A_345 : memref<100000x64xf32, #tpu.memory_space<hbm>>) dst(%arg6 : memref<128x64xf32, #tpu.memory_space<vmem>>)
    %add3A_346 = arith.constant 2048 : i32
    %add3A_347 = arith.addi %mul3A_2, %add3A_346 : i32
    %dma_start3A_348 = arith.constant 0 : i32
    %dma_start3A_349 = tpu.memref_slice %arg4[%add3A_347, %dma_start3A_348] : memref<81920x128xf32, #tpu.memory_space<hbm>> -> memref<128x64xf32, #tpu.memory_space<hbm>>
    %dma_start3A_350 = arith.constant 0 : i32
    %dma_start3A_351 = tpu.memref_slice %arg4[%add3A_347, %dma_start3A_350] : memref<81920x128xf32, #tpu.memory_space<hbm>> -> memref<128x64xf32, #tpu.memory_space<hbm>>
    tpu.enqueue_dma source(%arg6 : memref<128x64xf32, #tpu.memory_space<vmem>>) target(%dma_start3A_351 : memref<128x64xf32, #tpu.memory_space<hbm>>) target_semaphore(%arg14 : memref<!tpu.dma_semaphore, #tpu.memory_space<semaphore_mem>>)
    %dma_wait3A_352 = arith.constant 2176 : i32
    %dma_wait3A_353 = tpu.memref_slice %arg5[%dma_wait3A_352] : memref<2560xi32, #tpu.memory_space<vmem>> -> memref<128xi32, #tpu.memory_space<vmem>>
    %dma_wait3A_354 = arith.constant 0 : i32
    %dma_wait3A_355 = arith.constant 0 : i32
    %dma_wait3A_356 = tpu.memref_slice %arg2[%dma_wait3A_354, %dma_wait3A_355] : memref<100000x64xf32, #tpu.memory_space<hbm>> -> memref<100000x64xf32, #tpu.memory_space<hbm>>
    tpu.wait_indirect_dma semaphore(%arg11 : memref<!tpu.dma_semaphore, #tpu.memory_space<semaphore_mem>>) src(%dma_wait3A_356 : memref<100000x64xf32, #tpu.memory_space<hbm>>) dst(%arg7 : memref<128x64xf32, #tpu.memory_space<vmem>>)
    %add3A_357 = arith.constant 2176 : i32
    %add3A_358 = arith.addi %mul3A_2, %add3A_357 : i32
    %dma_start3A_359 = arith.constant 0 : i32
    %dma_start3A_360 = tpu.memref_slice %arg4[%add3A_358, %dma_start3A_359] : memref<81920x128xf32, #tpu.memory_space<hbm>> -> memref<128x64xf32, #tpu.memory_space<hbm>>
    %dma_start3A_361 = arith.constant 0 : i32
    %dma_start3A_362 = tpu.memref_slice %arg4[%add3A_358, %dma_start3A_361] : memref<81920x128xf32, #tpu.memory_space<hbm>> -> memref<128x64xf32, #tpu.memory_space<hbm>>
    tpu.enqueue_dma source(%arg7 : memref<128x64xf32, #tpu.memory_space<vmem>>) target(%dma_start3A_362 : memref<128x64xf32, #tpu.memory_space<hbm>>) target_semaphore(%arg15 : memref<!tpu.dma_semaphore, #tpu.memory_space<semaphore_mem>>)
    %dma_wait3A_363 = arith.constant 2304 : i32
    %dma_wait3A_364 = tpu.memref_slice %arg5[%dma_wait3A_363] : memref<2560xi32, #tpu.memory_space<vmem>> -> memref<128xi32, #tpu.memory_space<vmem>>
    %dma_wait3A_365 = arith.constant 0 : i32
    %dma_wait3A_366 = arith.constant 0 : i32
    %dma_wait3A_367 = tpu.memref_slice %arg2[%dma_wait3A_365, %dma_wait3A_366] : memref<100000x64xf32, #tpu.memory_space<hbm>> -> memref<100000x64xf32, #tpu.memory_space<hbm>>
    tpu.wait_indirect_dma semaphore(%arg12 : memref<!tpu.dma_semaphore, #tpu.memory_space<semaphore_mem>>) src(%dma_wait3A_367 : memref<100000x64xf32, #tpu.memory_space<hbm>>) dst(%arg8 : memref<128x64xf32, #tpu.memory_space<vmem>>)
    %add3A_368 = arith.constant 2304 : i32
    %add3A_369 = arith.addi %mul3A_2, %add3A_368 : i32
    %dma_start3A_370 = arith.constant 0 : i32
    %dma_start3A_371 = tpu.memref_slice %arg4[%add3A_369, %dma_start3A_370] : memref<81920x128xf32, #tpu.memory_space<hbm>> -> memref<128x64xf32, #tpu.memory_space<hbm>>
    %dma_start3A_372 = arith.constant 0 : i32
    %dma_start3A_373 = tpu.memref_slice %arg4[%add3A_369, %dma_start3A_372] : memref<81920x128xf32, #tpu.memory_space<hbm>> -> memref<128x64xf32, #tpu.memory_space<hbm>>
    tpu.enqueue_dma source(%arg8 : memref<128x64xf32, #tpu.memory_space<vmem>>) target(%dma_start3A_373 : memref<128x64xf32, #tpu.memory_space<hbm>>) target_semaphore(%arg16 : memref<!tpu.dma_semaphore, #tpu.memory_space<semaphore_mem>>)
    %dma_wait3A_374 = arith.constant 2432 : i32
    %dma_wait3A_375 = tpu.memref_slice %arg5[%dma_wait3A_374] : memref<2560xi32, #tpu.memory_space<vmem>> -> memref<128xi32, #tpu.memory_space<vmem>>
    %dma_wait3A_376 = arith.constant 0 : i32
    %dma_wait3A_377 = arith.constant 0 : i32
    %dma_wait3A_378 = tpu.memref_slice %arg2[%dma_wait3A_376, %dma_wait3A_377] : memref<100000x64xf32, #tpu.memory_space<hbm>> -> memref<100000x64xf32, #tpu.memory_space<hbm>>
    tpu.wait_indirect_dma semaphore(%arg13 : memref<!tpu.dma_semaphore, #tpu.memory_space<semaphore_mem>>) src(%dma_wait3A_378 : memref<100000x64xf32, #tpu.memory_space<hbm>>) dst(%arg9 : memref<128x64xf32, #tpu.memory_space<vmem>>)
    %add3A_379 = arith.constant 2432 : i32
    %add3A_380 = arith.addi %mul3A_2, %add3A_379 : i32
    %dma_start3A_381 = arith.constant 0 : i32
    %dma_start3A_382 = tpu.memref_slice %arg4[%add3A_380, %dma_start3A_381] : memref<81920x128xf32, #tpu.memory_space<hbm>> -> memref<128x64xf32, #tpu.memory_space<hbm>>
    %dma_start3A_383 = arith.constant 0 : i32
    %dma_start3A_384 = tpu.memref_slice %arg4[%add3A_380, %dma_start3A_383] : memref<81920x128xf32, #tpu.memory_space<hbm>> -> memref<128x64xf32, #tpu.memory_space<hbm>>
    tpu.enqueue_dma source(%arg9 : memref<128x64xf32, #tpu.memory_space<vmem>>) target(%dma_start3A_384 : memref<128x64xf32, #tpu.memory_space<hbm>>) target_semaphore(%arg17 : memref<!tpu.dma_semaphore, #tpu.memory_space<semaphore_mem>>)
    %dma_wait3A_385 = arith.constant 0 : i32
    %dma_wait3A_386 = tpu.memref_slice %arg4[%add3A_347, %dma_wait3A_385] : memref<81920x128xf32, #tpu.memory_space<hbm>> -> memref<128x64xf32, #tpu.memory_space<hbm>>
    %dma_wait3A_387 = arith.constant 0 : i32
    %dma_wait3A_388 = tpu.memref_slice %arg4[%add3A_347, %dma_wait3A_387] : memref<81920x128xf32, #tpu.memory_space<hbm>> -> memref<128x64xf32, #tpu.memory_space<hbm>>
    tpu.wait_dma2 semaphore(%arg14 : memref<!tpu.dma_semaphore, #tpu.memory_space<semaphore_mem>>) src(%arg6 : memref<128x64xf32, #tpu.memory_space<vmem>>) dst(%dma_wait3A_388 : memref<128x64xf32, #tpu.memory_space<hbm>>)
    %dma_wait3A_389 = arith.constant 0 : i32
    %dma_wait3A_390 = tpu.memref_slice %arg4[%add3A_358, %dma_wait3A_389] : memref<81920x128xf32, #tpu.memory_space<hbm>> -> memref<128x64xf32, #tpu.memory_space<hbm>>
    %dma_wait3A_391 = arith.constant 0 : i32
    %dma_wait3A_392 = tpu.memref_slice %arg4[%add3A_358, %dma_wait3A_391] : memref<81920x128xf32, #tpu.memory_space<hbm>> -> memref<128x64xf32, #tpu.memory_space<hbm>>
    tpu.wait_dma2 semaphore(%arg15 : memref<!tpu.dma_semaphore, #tpu.memory_space<semaphore_mem>>) src(%arg7 : memref<128x64xf32, #tpu.memory_space<vmem>>) dst(%dma_wait3A_392 : memref<128x64xf32, #tpu.memory_space<hbm>>)
    %dma_wait3A_393 = arith.constant 0 : i32
    %dma_wait3A_394 = tpu.memref_slice %arg4[%add3A_369, %dma_wait3A_393] : memref<81920x128xf32, #tpu.memory_space<hbm>> -> memref<128x64xf32, #tpu.memory_space<hbm>>
    %dma_wait3A_395 = arith.constant 0 : i32
    %dma_wait3A_396 = tpu.memref_slice %arg4[%add3A_369, %dma_wait3A_395] : memref<81920x128xf32, #tpu.memory_space<hbm>> -> memref<128x64xf32, #tpu.memory_space<hbm>>
    tpu.wait_dma2 semaphore(%arg16 : memref<!tpu.dma_semaphore, #tpu.memory_space<semaphore_mem>>) src(%arg8 : memref<128x64xf32, #tpu.memory_space<vmem>>) dst(%dma_wait3A_396 : memref<128x64xf32, #tpu.memory_space<hbm>>)
    %dma_wait3A_397 = arith.constant 0 : i32
    %dma_wait3A_398 = tpu.memref_slice %arg4[%add3A_380, %dma_wait3A_397] : memref<81920x128xf32, #tpu.memory_space<hbm>> -> memref<128x64xf32, #tpu.memory_space<hbm>>
    %dma_wait3A_399 = arith.constant 0 : i32
    %dma_wait3A_400 = tpu.memref_slice %arg4[%add3A_380, %dma_wait3A_399] : memref<81920x128xf32, #tpu.memory_space<hbm>> -> memref<128x64xf32, #tpu.memory_space<hbm>>
    tpu.wait_dma2 semaphore(%arg17 : memref<!tpu.dma_semaphore, #tpu.memory_space<semaphore_mem>>) src(%arg9 : memref<128x64xf32, #tpu.memory_space<vmem>>) dst(%dma_wait3A_400 : memref<128x64xf32, #tpu.memory_space<hbm>>)
    return
  }
}

module attributes {stable_mosaic.version = 14 : i64} {
  func.func @_final_body(%arg0: i32, %arg1: memref<3200x128xf32, #tpu.memory_space<vmem>>, %arg2: memref<400x64xf32, #tpu.memory_space<vmem>>, %arg3: memref<3200x64xbf16, #tpu.memory_space<vmem>>, %arg4: memref<400x41xf32, #tpu.memory_space<vmem>>, %arg5: memref<64x64xf32, #tpu.memory_space<vmem>>, %arg6: memref<1x64xf32, #tpu.memory_space<vmem>>, %arg7: memref<64x41xf32, #tpu.memory_space<vmem>>, %arg8: memref<1x41xf32, #tpu.memory_space<vmem>>, %arg9: memref<400x41xf32, #tpu.memory_space<vmem>>) attributes {dimension_semantics = [#tpu.dimension_semantics<arbitrary>], iteration_bounds = array<i64: 25>, scalar_prefetch = 0 : i64, scratch_operands = 0 : i64, tpu.core_type = #tpu.core_type<tc>, window_params = [{transform_indices = @transform_0, window_bounds = array<i64: 3200, 128>}, {transform_indices = @transform_1, window_bounds = array<i64: 400, 64>}, {transform_indices = @transform_2, window_bounds = array<i64: 3200, 64>}, {transform_indices = @transform_3, window_bounds = array<i64: 400, 41>}, {pipeline_mode = #tpu.pipeline_mode<synchronous>, transform_indices = @transform_4, window_bounds = array<i64: 64, 64>}, {pipeline_mode = #tpu.pipeline_mode<synchronous>, transform_indices = @transform_5, window_bounds = array<i64: 1, 64>}, {pipeline_mode = #tpu.pipeline_mode<synchronous>, transform_indices = @transform_6, window_bounds = array<i64: 64, 41>}, {pipeline_mode = #tpu.pipeline_mode<synchronous>, transform_indices = @transform_7, window_bounds = array<i64: 1, 41>}, {transform_indices = @transform_8, window_bounds = array<i64: 400, 41>}]} {
    %get3A = arith.constant 0 : index
    %get3A_0 = arith.constant 0 : index
    %get3A_1 = vector.load %arg5[%get3A, %get3A_0] : memref<64x64xf32, #tpu.memory_space<vmem>>, vector<64x64xf32>
    %get3A_2 = arith.constant 0 : index
    %get3A_3 = arith.constant 0 : index
    %get3A_4 = vector.load %arg6[%get3A_2, %get3A_3] : memref<1x64xf32, #tpu.memory_space<vmem>>, vector<1x64xf32>
    %get3A_5 = arith.constant 0 : index
    %get3A_6 = arith.constant 0 : index
    %get3A_7 = vector.load %arg1[%get3A_5, %get3A_6] : memref<3200x128xf32, #tpu.memory_space<vmem>>, vector<3200x128xf32>
    %slice3A = vector.extract_strided_slice %get3A_7 {offsets = [0, 0], sizes = [3200, 64], strides = [1, 1]} : vector<3200x128xf32> to vector<3200x64xf32>
    %reshape3A = vector.shape_cast %slice3A : vector<3200x64xf32> to vector<400x8x64xf32>
    %reduce_sum3A = arith.constant dense<0.000000e+00> : vector<400x64xf32>
    %reduce_sum3A_8 = vector.multi_reduction <add>, %reshape3A, %reduce_sum3A [1] : vector<400x8x64xf32> to vector<400x64xf32>
    %mul3A = arith.constant 1.250000e-01 : f32
    %mul3A_9 = vector.broadcast %mul3A : f32 to vector<400x64xf32>
    %mul3A_10 = arith.mulf %reduce_sum3A_8, %mul3A_9 : vector<400x64xf32>
    %get3A_11 = arith.constant 0 : index
    %get3A_12 = arith.constant 0 : index
    %get3A_13 = vector.load %arg2[%get3A_11, %get3A_12] : memref<400x64xf32, #tpu.memory_space<vmem>>, vector<400x64xf32>
    %add3A = arith.addf %get3A_13, %mul3A_10 : vector<400x64xf32>
    %dot_general3A = arith.constant dense<0.000000e+00> : vector<400x64xf32>
    %dot_general3A_14 = tpu.matmul %add3A, %get3A_1, %dot_general3A {dimension_numbers = #tpu.dot_dimension_numbers<[1], [0], [0], [1], [0, 0, 1, 1], [], []>, transpose_lhs_hint = false} : vector<400x64xf32>, vector<64x64xf32>, vector<400x64xf32> -> vector<400x64xf32>
    %add3A_15 = vector.broadcast %get3A_4 : vector<1x64xf32> to vector<400x64xf32>
    %add3A_16 = arith.addf %dot_general3A_14, %add3A_15 : vector<400x64xf32>
    %max3A = arith.constant 0.000000e+00 : f32
    %max3A_17 = vector.broadcast %max3A : f32 to vector<400x64xf32>
    %max3A_18 = arith.maximumf %add3A_16, %max3A_17 : vector<400x64xf32>
    %get3A_19 = arith.constant 0 : index
    %get3A_20 = arith.constant 0 : index
    %get3A_21 = vector.load %arg3[%get3A_19, %get3A_20] : memref<3200x64xbf16, #tpu.memory_space<vmem>>, vector<3200x64xbf16>
    %convert_element_type3A = arith.extf %get3A_21 : vector<3200x64xbf16> to vector<3200x64xf32>
    %add3A_22 = arith.addf %slice3A, %convert_element_type3A : vector<3200x64xf32>
    %dot_general3A_23 = arith.constant dense<0.000000e+00> : vector<3200x64xf32>
    %dot_general3A_24 = tpu.matmul %add3A_22, %get3A_1, %dot_general3A_23 {dimension_numbers = #tpu.dot_dimension_numbers<[1], [0], [0], [1], [0, 0, 1, 1], [], []>, transpose_lhs_hint = false} : vector<3200x64xf32>, vector<64x64xf32>, vector<3200x64xf32> -> vector<3200x64xf32>
    %add3A_25 = vector.broadcast %get3A_4 : vector<1x64xf32> to vector<3200x64xf32>
    %add3A_26 = arith.addf %dot_general3A_24, %add3A_25 : vector<3200x64xf32>
    %max3A_27 = arith.constant 0.000000e+00 : f32
    %max3A_28 = vector.broadcast %max3A_27 : f32 to vector<3200x64xf32>
    %max3A_29 = arith.maximumf %add3A_26, %max3A_28 : vector<3200x64xf32>
    %reshape3A_30 = vector.shape_cast %max3A_29 : vector<3200x64xf32> to vector<400x8x64xf32>
    %reduce_sum3A_31 = arith.constant dense<0.000000e+00> : vector<400x64xf32>
    %reduce_sum3A_32 = vector.multi_reduction <add>, %reshape3A_30, %reduce_sum3A_31 [1] : vector<400x8x64xf32> to vector<400x64xf32>
    %mul3A_33 = arith.constant 1.250000e-01 : f32
    %mul3A_34 = vector.broadcast %mul3A_33 : f32 to vector<400x64xf32>
    %mul3A_35 = arith.mulf %reduce_sum3A_32, %mul3A_34 : vector<400x64xf32>
    %add3A_36 = arith.addf %max3A_18, %mul3A_35 : vector<400x64xf32>
    %get3A_37 = arith.constant 0 : index
    %get3A_38 = arith.constant 0 : index
    %get3A_39 = vector.load %arg7[%get3A_37, %get3A_38] : memref<64x41xf32, #tpu.memory_space<vmem>>, vector<64x41xf32>
    %dot_general3A_40 = arith.constant dense<0.000000e+00> : vector<400x41xf32>
    %dot_general3A_41 = tpu.matmul %add3A_36, %get3A_39, %dot_general3A_40 {dimension_numbers = #tpu.dot_dimension_numbers<[1], [0], [0], [1], [0, 0, 1, 1], [], []>, transpose_lhs_hint = false} : vector<400x64xf32>, vector<64x41xf32>, vector<400x41xf32> -> vector<400x41xf32>
    %get3A_42 = arith.constant 0 : index
    %get3A_43 = arith.constant 0 : index
    %get3A_44 = vector.load %arg8[%get3A_42, %get3A_43] : memref<1x41xf32, #tpu.memory_space<vmem>>, vector<1x41xf32>
    %add3A_45 = vector.broadcast %get3A_44 : vector<1x41xf32> to vector<400x41xf32>
    %add3A_46 = arith.addf %dot_general3A_41, %add3A_45 : vector<400x41xf32>
    %get3A_47 = arith.constant 0 : index
    %get3A_48 = arith.constant 0 : index
    %get3A_49 = vector.load %arg4[%get3A_47, %get3A_48] : memref<400x41xf32, #tpu.memory_space<vmem>>, vector<400x41xf32>
    %mul3A_50 = arith.constant 8.000000e-01 : f32
    %mul3A_51 = vector.broadcast %mul3A_50 : f32 to vector<400x41xf32>
    %mul3A_52 = arith.mulf %mul3A_51, %get3A_49 : vector<400x41xf32>
    %mul3A_53 = arith.constant 2.000000e-01 : f32
    %mul3A_54 = vector.broadcast %mul3A_53 : f32 to vector<400x41xf32>
    %mul3A_55 = arith.mulf %mul3A_54, %add3A_46 : vector<400x41xf32>
    %add3A_56 = arith.addf %mul3A_52, %mul3A_55 : vector<400x41xf32>
    %reduce_max3A = arith.constant dense<0xFF800000> : vector<400xf32>
    %reduce_max3A_57 = vector.multi_reduction <maximumf>, %add3A_56, %reduce_max3A [1] : vector<400x41xf32> to vector<400xf32>
    %broadcast_in_dim3A = vector.shape_cast %reduce_max3A_57 : vector<400xf32> to vector<400x1xf32>
    %sub3A = vector.broadcast %broadcast_in_dim3A : vector<400x1xf32> to vector<400x41xf32>
    %sub3A_58 = arith.subf %add3A_56, %sub3A : vector<400x41xf32>
    %exp3A = math.exp %sub3A_58 : vector<400x41xf32>
    %reduce_sum3A_59 = arith.constant dense<0.000000e+00> : vector<400xf32>
    %reduce_sum3A_60 = vector.multi_reduction <add>, %exp3A, %reduce_sum3A_59 [1] : vector<400x41xf32> to vector<400xf32>
    %broadcast_in_dim3A_61 = vector.shape_cast %reduce_sum3A_60 : vector<400xf32> to vector<400x1xf32>
    %log3A = math.log %broadcast_in_dim3A_61 : vector<400x1xf32>
    %add3A_62 = arith.addf %log3A, %broadcast_in_dim3A : vector<400x1xf32>
    %sub3A_63 = vector.broadcast %add3A_62 : vector<400x1xf32> to vector<400x41xf32>
    %sub3A_64 = arith.subf %add3A_56, %sub3A_63 : vector<400x41xf32>
    %swap3A = arith.constant 0 : index
    %swap3A_65 = arith.constant 0 : index
    %swap3A_66 = vector.load %arg9[%swap3A, %swap3A_65] : memref<400x41xf32, #tpu.memory_space<vmem>>, vector<400x41xf32>
    tpu.vector_store %arg9[%swap3A, %swap3A_65], %sub3A_64 {strides = array<i32>} : memref<400x41xf32, #tpu.memory_space<vmem>>, vector<400x41xf32>,
    return
  }
  func.func @transform_0(%arg0: i32) -> (i32, i32) {
    %c0_i32 = arith.constant 0 : i32
    %c0_i32_0 = arith.constant 0 : i32
    return %arg0, %c0_i32 : i32, i32
  }
  func.func @transform_1(%arg0: i32) -> (i32, i32) {
    %c0_i32 = arith.constant 0 : i32
    %c0_i32_0 = arith.constant 0 : i32
    return %arg0, %c0_i32 : i32, i32
  }
  func.func @transform_2(%arg0: i32) -> (i32, i32) {
    %c0_i32 = arith.constant 0 : i32
    %c0_i32_0 = arith.constant 0 : i32
    return %arg0, %c0_i32 : i32, i32
  }
  func.func @transform_3(%arg0: i32) -> (i32, i32) {
    %c0_i32 = arith.constant 0 : i32
    %c0_i32_0 = arith.constant 0 : i32
    return %arg0, %c0_i32 : i32, i32
  }
  func.func @transform_4(%arg0: i32) -> (i32, i32) {
    %c0_i32 = arith.constant 0 : i32
    %c0_i32_0 = arith.constant 0 : i32
    %c0_i32_1 = arith.constant 0 : i32
    return %c0_i32, %c0_i32_0 : i32, i32
  }
  func.func @transform_5(%arg0: i32) -> (i32, i32) {
    %c0_i32 = arith.constant 0 : i32
    %c0_i32_0 = arith.constant 0 : i32
    %c0_i32_1 = arith.constant 0 : i32
    return %c0_i32, %c0_i32_0 : i32, i32
  }
  func.func @transform_6(%arg0: i32) -> (i32, i32) {
    %c0_i32 = arith.constant 0 : i32
    %c0_i32_0 = arith.constant 0 : i32
    %c0_i32_1 = arith.constant 0 : i32
    return %c0_i32, %c0_i32_0 : i32, i32
  }
  func.func @transform_7(%arg0: i32) -> (i32, i32) {
    %c0_i32 = arith.constant 0 : i32
    %c0_i32_0 = arith.constant 0 : i32
    %c0_i32_1 = arith.constant 0 : i32
    return %c0_i32, %c0_i32_0 : i32, i32
  }
  func.func @transform_8(%arg0: i32) -> (i32, i32) {
    %c0_i32 = arith.constant 0 : i32
    %c0_i32_0 = arith.constant 0 : i32
    return %arg0, %c0_i32 : i32, i32
  }
}

module attributes {stable_mosaic.version = 14 : i64} {
  func.func @_pre_body(%arg0: i32, %arg1: memref<400x128xf32, #tpu.memory_space<vmem>>, %arg2: memref<3200x128xf32, #tpu.memory_space<vmem>>, %arg3: memref<6400x128xf32, #tpu.memory_space<vmem>>, %arg4: memref<400x128xf32, #tpu.memory_space<vmem>>, %arg5: memref<6400x128xf32, #tpu.memory_space<vmem>>, %arg6: memref<128x64xf32, #tpu.memory_space<vmem>>, %arg7: memref<1x64xf32, #tpu.memory_space<vmem>>, %arg8: memref<64x41xf32, #tpu.memory_space<vmem>>, %arg9: memref<1x41xf32, #tpu.memory_space<vmem>>, %arg10: memref<128x64xf32, #tpu.memory_space<vmem>>, %arg11: memref<400x41xf32, #tpu.memory_space<vmem>>, %arg12: memref<400x64xf32, #tpu.memory_space<vmem>>, %arg13: memref<3200x64xbf16, #tpu.memory_space<vmem>>) attributes {dimension_semantics = [#tpu.dimension_semantics<arbitrary>], iteration_bounds = array<i64: 25>, scalar_prefetch = 0 : i64, scratch_operands = 0 : i64, tpu.core_type = #tpu.core_type<tc>, window_params = [{transform_indices = @transform_0, window_bounds = array<i64: 400, 128>}, {transform_indices = @transform_1, window_bounds = array<i64: 3200, 128>}, {transform_indices = @transform_2, window_bounds = array<i64: 6400, 128>}, {transform_indices = @transform_3, window_bounds = array<i64: 400, 128>}, {transform_indices = @transform_4, window_bounds = array<i64: 6400, 128>}, {pipeline_mode = #tpu.pipeline_mode<synchronous>, transform_indices = @transform_5, window_bounds = array<i64: 128, 64>}, {pipeline_mode = #tpu.pipeline_mode<synchronous>, transform_indices = @transform_6, window_bounds = array<i64: 1, 64>}, {pipeline_mode = #tpu.pipeline_mode<synchronous>, transform_indices = @transform_7, window_bounds = array<i64: 64, 41>}, {pipeline_mode = #tpu.pipeline_mode<synchronous>, transform_indices = @transform_8, window_bounds = array<i64: 1, 41>}, {pipeline_mode = #tpu.pipeline_mode<synchronous>, transform_indices = @transform_9, window_bounds = array<i64: 128, 64>}, {transform_indices = @transform_10, window_bounds = array<i64: 400, 41>}, {transform_indices = @transform_11, window_bounds = array<i64: 400, 64>}, {transform_indices = @transform_12, window_bounds = array<i64: 3200, 64>}]} {
    %get3A = arith.constant 0 : index
    %get3A_0 = arith.constant 0 : index
    %get3A_1 = vector.load %arg6[%get3A, %get3A_0] : memref<128x64xf32, #tpu.memory_space<vmem>>, vector<128x64xf32>
    %get3A_2 = arith.constant 0 : index
    %get3A_3 = arith.constant 0 : index
    %get3A_4 = vector.load %arg7[%get3A_2, %get3A_3] : memref<1x64xf32, #tpu.memory_space<vmem>>, vector<1x64xf32>
    %get3A_5 = arith.constant 0 : index
    %get3A_6 = arith.constant 0 : index
    %get3A_7 = vector.load %arg10[%get3A_5, %get3A_6] : memref<128x64xf32, #tpu.memory_space<vmem>>, vector<128x64xf32>
    %get3A_8 = arith.constant 0 : index
    %get3A_9 = arith.constant 0 : index
    %get3A_10 = vector.load %arg2[%get3A_8, %get3A_9] : memref<3200x128xf32, #tpu.memory_space<vmem>>, vector<3200x128xf32>
    %reshape3A = vector.shape_cast %get3A_10 : vector<3200x128xf32> to vector<400x8x128xf32>
    %reduce_sum3A = arith.constant dense<0.000000e+00> : vector<400x128xf32>
    %reduce_sum3A_11 = vector.multi_reduction <add>, %reshape3A, %reduce_sum3A [1] : vector<400x8x128xf32> to vector<400x128xf32>
    %mul3A = arith.constant 1.250000e-01 : f32
    %mul3A_12 = vector.broadcast %mul3A : f32 to vector<400x128xf32>
    %mul3A_13 = arith.mulf %reduce_sum3A_11, %mul3A_12 : vector<400x128xf32>
    %get3A_14 = arith.constant 0 : index
    %get3A_15 = arith.constant 0 : index
    %get3A_16 = vector.load %arg1[%get3A_14, %get3A_15] : memref<400x128xf32, #tpu.memory_space<vmem>>, vector<400x128xf32>
    %add3A = arith.addf %get3A_16, %mul3A_13 : vector<400x128xf32>
    %dot_general3A = arith.constant dense<0.000000e+00> : vector<400x64xf32>
    %dot_general3A_17 = tpu.matmul %add3A, %get3A_1, %dot_general3A {dimension_numbers = #tpu.dot_dimension_numbers<[1], [0], [0], [1], [0, 0, 1, 1], [], []>, transpose_lhs_hint = false} : vector<400x128xf32>, vector<128x64xf32>, vector<400x64xf32> -> vector<400x64xf32>
    %add3A_18 = vector.broadcast %get3A_4 : vector<1x64xf32> to vector<400x64xf32>
    %add3A_19 = arith.addf %dot_general3A_17, %add3A_18 : vector<400x64xf32>
    %max3A = arith.constant 0.000000e+00 : f32
    %max3A_20 = vector.broadcast %max3A : f32 to vector<400x64xf32>
    %max3A_21 = arith.maximumf %add3A_19, %max3A_20 : vector<400x64xf32>
    %get3A_22 = arith.constant 0 : index
    %get3A_23 = arith.constant 0 : index
    %get3A_24 = vector.load %arg3[%get3A_22, %get3A_23] : memref<6400x128xf32, #tpu.memory_space<vmem>>, vector<6400x128xf32>
    %iota3A = tpu.iota {dimensions = array<i32: 0>} : vector<128x256xi32>
    %iota3A_25 = tpu.iota {dimensions = array<i32: 1>} : vector<128x256xi32>
    %jit3A = arith.constant 2 : i32
    %div3A = vector.broadcast %jit3A : i32 to vector<128x256xi32>
    %div3A_26 = arith.divsi %iota3A_25, %div3A : vector<128x256xi32>
    %sign3A = arith.constant 0 : i32
    %sign3A_27 = vector.broadcast %sign3A : i32 to vector<128x256xi32>
    %sign3A_28 = arith.cmpi sgt, %iota3A_25, %sign3A_27 : vector<128x256xi32>
    %sign3A_29 = arith.extui %sign3A_28 : vector<128x256xi1> to vector<128x256xi32>
    %sign3A_30 = arith.constant 0 : i32
    %sign3A_31 = vector.broadcast %sign3A_30 : i32 to vector<128x256xi32>
    %sign3A_32 = arith.cmpi slt, %iota3A_25, %sign3A_31 : vector<128x256xi32>
    %sign3A_33 = arith.extui %sign3A_32 : vector<128x256xi1> to vector<128x256xi32>
    %sign3A_34 = arith.subi %sign3A_29, %sign3A_33 : vector<128x256xi32>
    %sign3A_35 = arith.constant 0 : i32
    %sign3A_36 = arith.cmpi sgt, %jit3A, %sign3A_35 : i32
    %sign3A_37 = arith.extui %sign3A_36 : i1 to i32
    %sign3A_38 = arith.constant 0 : i32
    %sign3A_39 = arith.cmpi slt, %jit3A, %sign3A_38 : i32
    %sign3A_40 = arith.extui %sign3A_39 : i1 to i32
    %sign3A_41 = arith.subi %sign3A_37, %sign3A_40 : i32
    %ne3A = vector.broadcast %sign3A_41 : i32 to vector<128x256xi32>
    %ne3A_42 = arith.cmpi ne, %sign3A_34, %ne3A : vector<128x256xi32>
    %rem3A = vector.broadcast %jit3A : i32 to vector<128x256xi32>
    %rem3A_43 = arith.remsi %iota3A_25, %rem3A : vector<128x256xi32>
    %ne3A_44 = arith.constant 0 : i32
    %ne3A_45 = vector.broadcast %ne3A_44 : i32 to vector<128x256xi32>
    %ne3A_46 = arith.cmpi ne, %rem3A_43, %ne3A_45 : vector<128x256xi32>
    %and3A = arith.andi %ne3A_42, %ne3A_46 : vector<128x256xi1>
    %sub3A = arith.constant 1 : i32
    %sub3A_47 = vector.broadcast %sub3A : i32 to vector<128x256xi32>
    %sub3A_48 = arith.subi %div3A_26, %sub3A_47 : vector<128x256xi32>
    %select_n3A = arith.select %and3A, %sub3A_48, %div3A_26 : vector<128x256xi1>, vector<128x256xi32>
    %eq3A = arith.cmpi eq, %select_n3A, %iota3A : vector<128x256xi32>
    %jit3A_49 = arith.constant 5.000000e-01 : f32
    %jit3A_50 = arith.constant 0.000000e+00 : f32
    %broadcast_in_dim3A = vector.broadcast %jit3A_49 : f32 to vector<128x256xf32>
    %broadcast_in_dim3A_51 = vector.broadcast %jit3A_50 : f32 to vector<128x256xf32>
    %select_n3A_52 = arith.select %eq3A, %broadcast_in_dim3A, %broadcast_in_dim3A_51 : vector<128x256xi1>, vector<128x256xf32>
    %slice3A = vector.extract_strided_slice %get3A_24 {offsets = [0, 0], sizes = [256, 128], strides = [1, 1]} : vector<6400x128xf32> to vector<256x128xf32>
    %dot_general3A_53 = arith.constant dense<0.000000e+00> : vector<128x128xf32>
    %dot_general3A_54 = tpu.matmul %select_n3A_52, %slice3A, %dot_general3A_53 {dimension_numbers = #tpu.dot_dimension_numbers<[1], [0], [0], [1], [0, 0, 1, 1], [], []>, transpose_lhs_hint = false} : vector<128x256xf32>, vector<256x128xf32>, vector<128x128xf32> -> vector<128x128xf32>
    %slice3A_55 = vector.extract_strided_slice %get3A_24 {offsets = [256, 0], sizes = [256, 128], strides = [1, 1]} : vector<6400x128xf32> to vector<256x128xf32>
    %dot_general3A_56 = arith.constant dense<0.000000e+00> : vector<128x128xf32>
    %dot_general3A_57 = tpu.matmul %select_n3A_52, %slice3A_55, %dot_general3A_56 {dimension_numbers = #tpu.dot_dimension_numbers<[1], [0], [0], [1], [0, 0, 1, 1], [], []>, transpose_lhs_hint = false} : vector<128x256xf32>, vector<256x128xf32>, vector<128x128xf32> -> vector<128x128xf32>
    %slice3A_58 = vector.extract_strided_slice %get3A_24 {offsets = [512, 0], sizes = [256, 128], strides = [1, 1]} : vector<6400x128xf32> to vector<256x128xf32>
    %dot_general3A_59 = arith.constant dense<0.000000e+00> : vector<128x128xf32>
    %dot_general3A_60 = tpu.matmul %select_n3A_52, %slice3A_58, %dot_general3A_59 {dimension_numbers = #tpu.dot_dimension_numbers<[1], [0], [0], [1], [0, 0, 1, 1], [], []>, transpose_lhs_hint = false} : vector<128x256xf32>, vector<256x128xf32>, vector<128x128xf32> -> vector<128x128xf32>
    %slice3A_61 = vector.extract_strided_slice %get3A_24 {offsets = [768, 0], sizes = [256, 128], strides = [1, 1]} : vector<6400x128xf32> to vector<256x128xf32>
    %dot_general3A_62 = arith.constant dense<0.000000e+00> : vector<128x128xf32>
    %dot_general3A_63 = tpu.matmul %select_n3A_52, %slice3A_61, %dot_general3A_62 {dimension_numbers = #tpu.dot_dimension_numbers<[1], [0], [0], [1], [0, 0, 1, 1], [], []>, transpose_lhs_hint = false} : vector<128x256xf32>, vector<256x128xf32>, vector<128x128xf32> -> vector<128x128xf32>
    %slice3A_64 = vector.extract_strided_slice %get3A_24 {offsets = [1024, 0], sizes = [256, 128], strides = [1, 1]} : vector<6400x128xf32> to vector<256x128xf32>
    %dot_general3A_65 = arith.constant dense<0.000000e+00> : vector<128x128xf32>
    %dot_general3A_66 = tpu.matmul %select_n3A_52, %slice3A_64, %dot_general3A_65 {dimension_numbers = #tpu.dot_dimension_numbers<[1], [0], [0], [1], [0, 0, 1, 1], [], []>, transpose_lhs_hint = false} : vector<128x256xf32>, vector<256x128xf32>, vector<128x128xf32> -> vector<128x128xf32>
    %slice3A_67 = vector.extract_strided_slice %get3A_24 {offsets = [1280, 0], sizes = [256, 128], strides = [1, 1]} : vector<6400x128xf32> to vector<256x128xf32>
    %dot_general3A_68 = arith.constant dense<0.000000e+00> : vector<128x128xf32>
    %dot_general3A_69 = tpu.matmul %select_n3A_52, %slice3A_67, %dot_general3A_68 {dimension_numbers = #tpu.dot_dimension_numbers<[1], [0], [0], [1], [0, 0, 1, 1], [], []>, transpose_lhs_hint = false} : vector<128x256xf32>, vector<256x128xf32>, vector<128x128xf32> -> vector<128x128xf32>
    %slice3A_70 = vector.extract_strided_slice %get3A_24 {offsets = [1536, 0], sizes = [256, 128], strides = [1, 1]} : vector<6400x128xf32> to vector<256x128xf32>
    %dot_general3A_71 = arith.constant dense<0.000000e+00> : vector<128x128xf32>
    %dot_general3A_72 = tpu.matmul %select_n3A_52, %slice3A_70, %dot_general3A_71 {dimension_numbers = #tpu.dot_dimension_numbers<[1], [0], [0], [1], [0, 0, 1, 1], [], []>, transpose_lhs_hint = false} : vector<128x256xf32>, vector<256x128xf32>, vector<128x128xf32> -> vector<128x128xf32>
    %slice3A_73 = vector.extract_strided_slice %get3A_24 {offsets = [1792, 0], sizes = [256, 128], strides = [1, 1]} : vector<6400x128xf32> to vector<256x128xf32>
    %dot_general3A_74 = arith.constant dense<0.000000e+00> : vector<128x128xf32>
    %dot_general3A_75 = tpu.matmul %select_n3A_52, %slice3A_73, %dot_general3A_74 {dimension_numbers = #tpu.dot_dimension_numbers<[1], [0], [0], [1], [0, 0, 1, 1], [], []>, transpose_lhs_hint = false} : vector<128x256xf32>, vector<256x128xf32>, vector<128x128xf32> -> vector<128x128xf32>
    %slice3A_76 = vector.extract_strided_slice %get3A_24 {offsets = [2048, 0], sizes = [256, 128], strides = [1, 1]} : vector<6400x128xf32> to vector<256x128xf32>
    %dot_general3A_77 = arith.constant dense<0.000000e+00> : vector<128x128xf32>
    %dot_general3A_78 = tpu.matmul %select_n3A_52, %slice3A_76, %dot_general3A_77 {dimension_numbers = #tpu.dot_dimension_numbers<[1], [0], [0], [1], [0, 0, 1, 1], [], []>, transpose_lhs_hint = false} : vector<128x256xf32>, vector<256x128xf32>, vector<128x128xf32> -> vector<128x128xf32>
    %slice3A_79 = vector.extract_strided_slice %get3A_24 {offsets = [2304, 0], sizes = [256, 128], strides = [1, 1]} : vector<6400x128xf32> to vector<256x128xf32>
    %dot_general3A_80 = arith.constant dense<0.000000e+00> : vector<128x128xf32>
    %dot_general3A_81 = tpu.matmul %select_n3A_52, %slice3A_79, %dot_general3A_80 {dimension_numbers = #tpu.dot_dimension_numbers<[1], [0], [0], [1], [0, 0, 1, 1], [], []>, transpose_lhs_hint = false} : vector<128x256xf32>, vector<256x128xf32>, vector<128x128xf32> -> vector<128x128xf32>
    %slice3A_82 = vector.extract_strided_slice %get3A_24 {offsets = [2560, 0], sizes = [256, 128], strides = [1, 1]} : vector<6400x128xf32> to vector<256x128xf32>
    %dot_general3A_83 = arith.constant dense<0.000000e+00> : vector<128x128xf32>
    %dot_general3A_84 = tpu.matmul %select_n3A_52, %slice3A_82, %dot_general3A_83 {dimension_numbers = #tpu.dot_dimension_numbers<[1], [0], [0], [1], [0, 0, 1, 1], [], []>, transpose_lhs_hint = false} : vector<128x256xf32>, vector<256x128xf32>, vector<128x128xf32> -> vector<128x128xf32>
    %slice3A_85 = vector.extract_strided_slice %get3A_24 {offsets = [2816, 0], sizes = [256, 128], strides = [1, 1]} : vector<6400x128xf32> to vector<256x128xf32>
    %dot_general3A_86 = arith.constant dense<0.000000e+00> : vector<128x128xf32>
    %dot_general3A_87 = tpu.matmul %select_n3A_52, %slice3A_85, %dot_general3A_86 {dimension_numbers = #tpu.dot_dimension_numbers<[1], [0], [0], [1], [0, 0, 1, 1], [], []>, transpose_lhs_hint = false} : vector<128x256xf32>, vector<256x128xf32>, vector<128x128xf32> -> vector<128x128xf32>
    %slice3A_88 = vector.extract_strided_slice %get3A_24 {offsets = [3072, 0], sizes = [256, 128], strides = [1, 1]} : vector<6400x128xf32> to vector<256x128xf32>
    %dot_general3A_89 = arith.constant dense<0.000000e+00> : vector<128x128xf32>
    %dot_general3A_90 = tpu.matmul %select_n3A_52, %slice3A_88, %dot_general3A_89 {dimension_numbers = #tpu.dot_dimension_numbers<[1], [0], [0], [1], [0, 0, 1, 1], [], []>, transpose_lhs_hint = false} : vector<128x256xf32>, vector<256x128xf32>, vector<128x128xf32> -> vector<128x128xf32>
    %slice3A_91 = vector.extract_strided_slice %get3A_24 {offsets = [3328, 0], sizes = [256, 128], strides = [1, 1]} : vector<6400x128xf32> to vector<256x128xf32>
    %dot_general3A_92 = arith.constant dense<0.000000e+00> : vector<128x128xf32>
    %dot_general3A_93 = tpu.matmul %select_n3A_52, %slice3A_91, %dot_general3A_92 {dimension_numbers = #tpu.dot_dimension_numbers<[1], [0], [0], [1], [0, 0, 1, 1], [], []>, transpose_lhs_hint = false} : vector<128x256xf32>, vector<256x128xf32>, vector<128x128xf32> -> vector<128x128xf32>
    %slice3A_94 = vector.extract_strided_slice %get3A_24 {offsets = [3584, 0], sizes = [256, 128], strides = [1, 1]} : vector<6400x128xf32> to vector<256x128xf32>
    %dot_general3A_95 = arith.constant dense<0.000000e+00> : vector<128x128xf32>
    %dot_general3A_96 = tpu.matmul %select_n3A_52, %slice3A_94, %dot_general3A_95 {dimension_numbers = #tpu.dot_dimension_numbers<[1], [0], [0], [1], [0, 0, 1, 1], [], []>, transpose_lhs_hint = false} : vector<128x256xf32>, vector<256x128xf32>, vector<128x128xf32> -> vector<128x128xf32>
    %slice3A_97 = vector.extract_strided_slice %get3A_24 {offsets = [3840, 0], sizes = [256, 128], strides = [1, 1]} : vector<6400x128xf32> to vector<256x128xf32>
    %dot_general3A_98 = arith.constant dense<0.000000e+00> : vector<128x128xf32>
    %dot_general3A_99 = tpu.matmul %select_n3A_52, %slice3A_97, %dot_general3A_98 {dimension_numbers = #tpu.dot_dimension_numbers<[1], [0], [0], [1], [0, 0, 1, 1], [], []>, transpose_lhs_hint = false} : vector<128x256xf32>, vector<256x128xf32>, vector<128x128xf32> -> vector<128x128xf32>
    %slice3A_100 = vector.extract_strided_slice %get3A_24 {offsets = [4096, 0], sizes = [256, 128], strides = [1, 1]} : vector<6400x128xf32> to vector<256x128xf32>
    %dot_general3A_101 = arith.constant dense<0.000000e+00> : vector<128x128xf32>
    %dot_general3A_102 = tpu.matmul %select_n3A_52, %slice3A_100, %dot_general3A_101 {dimension_numbers = #tpu.dot_dimension_numbers<[1], [0], [0], [1], [0, 0, 1, 1], [], []>, transpose_lhs_hint = false} : vector<128x256xf32>, vector<256x128xf32>, vector<128x128xf32> -> vector<128x128xf32>
    %slice3A_103 = vector.extract_strided_slice %get3A_24 {offsets = [4352, 0], sizes = [256, 128], strides = [1, 1]} : vector<6400x128xf32> to vector<256x128xf32>
    %dot_general3A_104 = arith.constant dense<0.000000e+00> : vector<128x128xf32>
    %dot_general3A_105 = tpu.matmul %select_n3A_52, %slice3A_103, %dot_general3A_104 {dimension_numbers = #tpu.dot_dimension_numbers<[1], [0], [0], [1], [0, 0, 1, 1], [], []>, transpose_lhs_hint = false} : vector<128x256xf32>, vector<256x128xf32>, vector<128x128xf32> -> vector<128x128xf32>
    %slice3A_106 = vector.extract_strided_slice %get3A_24 {offsets = [4608, 0], sizes = [256, 128], strides = [1, 1]} : vector<6400x128xf32> to vector<256x128xf32>
    %dot_general3A_107 = arith.constant dense<0.000000e+00> : vector<128x128xf32>
    %dot_general3A_108 = tpu.matmul %select_n3A_52, %slice3A_106, %dot_general3A_107 {dimension_numbers = #tpu.dot_dimension_numbers<[1], [0], [0], [1], [0, 0, 1, 1], [], []>, transpose_lhs_hint = false} : vector<128x256xf32>, vector<256x128xf32>, vector<128x128xf32> -> vector<128x128xf32>
    %slice3A_109 = vector.extract_strided_slice %get3A_24 {offsets = [4864, 0], sizes = [256, 128], strides = [1, 1]} : vector<6400x128xf32> to vector<256x128xf32>
    %dot_general3A_110 = arith.constant dense<0.000000e+00> : vector<128x128xf32>
    %dot_general3A_111 = tpu.matmul %select_n3A_52, %slice3A_109, %dot_general3A_110 {dimension_numbers = #tpu.dot_dimension_numbers<[1], [0], [0], [1], [0, 0, 1, 1], [], []>, transpose_lhs_hint = false} : vector<128x256xf32>, vector<256x128xf32>, vector<128x128xf32> -> vector<128x128xf32>
    %slice3A_112 = vector.extract_strided_slice %get3A_24 {offsets = [5120, 0], sizes = [256, 128], strides = [1, 1]} : vector<6400x128xf32> to vector<256x128xf32>
    %dot_general3A_113 = arith.constant dense<0.000000e+00> : vector<128x128xf32>
    %dot_general3A_114 = tpu.matmul %select_n3A_52, %slice3A_112, %dot_general3A_113 {dimension_numbers = #tpu.dot_dimension_numbers<[1], [0], [0], [1], [0, 0, 1, 1], [], []>, transpose_lhs_hint = false} : vector<128x256xf32>, vector<256x128xf32>, vector<128x128xf32> -> vector<128x128xf32>
    %slice3A_115 = vector.extract_strided_slice %get3A_24 {offsets = [5376, 0], sizes = [256, 128], strides = [1, 1]} : vector<6400x128xf32> to vector<256x128xf32>
    %dot_general3A_116 = arith.constant dense<0.000000e+00> : vector<128x128xf32>
    %dot_general3A_117 = tpu.matmul %select_n3A_52, %slice3A_115, %dot_general3A_116 {dimension_numbers = #tpu.dot_dimension_numbers<[1], [0], [0], [1], [0, 0, 1, 1], [], []>, transpose_lhs_hint = false} : vector<128x256xf32>, vector<256x128xf32>, vector<128x128xf32> -> vector<128x128xf32>
    %slice3A_118 = vector.extract_strided_slice %get3A_24 {offsets = [5632, 0], sizes = [256, 128], strides = [1, 1]} : vector<6400x128xf32> to vector<256x128xf32>
    %dot_general3A_119 = arith.constant dense<0.000000e+00> : vector<128x128xf32>
    %dot_general3A_120 = tpu.matmul %select_n3A_52, %slice3A_118, %dot_general3A_119 {dimension_numbers = #tpu.dot_dimension_numbers<[1], [0], [0], [1], [0, 0, 1, 1], [], []>, transpose_lhs_hint = false} : vector<128x256xf32>, vector<256x128xf32>, vector<128x128xf32> -> vector<128x128xf32>
    %slice3A_121 = vector.extract_strided_slice %get3A_24 {offsets = [5888, 0], sizes = [256, 128], strides = [1, 1]} : vector<6400x128xf32> to vector<256x128xf32>
    %dot_general3A_122 = arith.constant dense<0.000000e+00> : vector<128x128xf32>
    %dot_general3A_123 = tpu.matmul %select_n3A_52, %slice3A_121, %dot_general3A_122 {dimension_numbers = #tpu.dot_dimension_numbers<[1], [0], [0], [1], [0, 0, 1, 1], [], []>, transpose_lhs_hint = false} : vector<128x256xf32>, vector<256x128xf32>, vector<128x128xf32> -> vector<128x128xf32>
    %slice3A_124 = vector.extract_strided_slice %get3A_24 {offsets = [6144, 0], sizes = [256, 128], strides = [1, 1]} : vector<6400x128xf32> to vector<256x128xf32>
    %dot_general3A_125 = arith.constant dense<0.000000e+00> : vector<128x128xf32>
    %dot_general3A_126 = tpu.matmul %select_n3A_52, %slice3A_124, %dot_general3A_125 {dimension_numbers = #tpu.dot_dimension_numbers<[1], [0], [0], [1], [0, 0, 1, 1], [], []>, transpose_lhs_hint = false} : vector<128x256xf32>, vector<256x128xf32>, vector<128x128xf32> -> vector<128x128xf32>
    %concatenate3A = tpu.concatenate %dot_general3A_54, %dot_general3A_57, %dot_general3A_60, %dot_general3A_63, %dot_general3A_66, %dot_general3A_69, %dot_general3A_72, %dot_general3A_75, %dot_general3A_78, %dot_general3A_81, %dot_general3A_84, %dot_general3A_87, %dot_general3A_90, %dot_general3A_93, %dot_general3A_96, %dot_general3A_99, %dot_general3A_102, %dot_general3A_105, %dot_general3A_108, %dot_general3A_111, %dot_general3A_114, %dot_general3A_117, %dot_general3A_120, %dot_general3A_123, %dot_general3A_126 in 0 : vector<128x128xf32>, vector<128x128xf32>, vector<128x128xf32>, vector<128x128xf32>, vector<128x128xf32>, vector<128x128xf32>, vector<128x128xf32>, vector<128x128xf32>, vector<128x128xf32>, vector<128x128xf32>, vector<128x128xf32>, vector<128x128xf32>, vector<128x128xf32>, vector<128x128xf32>, vector<128x128xf32>, vector<128x128xf32>, vector<128x128xf32>, vector<128x128xf32>, vector<128x128xf32>, vector<128x128xf32>, vector<128x128xf32>, vector<128x128xf32>, vector<128x128xf32>, vector<128x128xf32>, vector<128x128xf32> -> vector<3200x128xf32>
    %get3A_127 = arith.constant 0 : index
    %get3A_128 = arith.constant 0 : index
    %get3A_129 = vector.load %arg2[%get3A_127, %get3A_128] : memref<3200x128xf32, #tpu.memory_space<vmem>>, vector<3200x128xf32>
    %add3A_130 = arith.addf %get3A_129, %concatenate3A : vector<3200x128xf32>
    %dot_general3A_131 = arith.constant dense<0.000000e+00> : vector<3200x64xf32>
    %dot_general3A_132 = tpu.matmul %add3A_130, %get3A_1, %dot_general3A_131 {dimension_numbers = #tpu.dot_dimension_numbers<[1], [0], [0], [1], [0, 0, 1, 1], [], []>, transpose_lhs_hint = false} : vector<3200x128xf32>, vector<128x64xf32>, vector<3200x64xf32> -> vector<3200x64xf32>
    %add3A_133 = vector.broadcast %get3A_4 : vector<1x64xf32> to vector<3200x64xf32>
    %add3A_134 = arith.addf %dot_general3A_132, %add3A_133 : vector<3200x64xf32>
    %max3A_135 = arith.constant 0.000000e+00 : f32
    %max3A_136 = vector.broadcast %max3A_135 : f32 to vector<3200x64xf32>
    %max3A_137 = arith.maximumf %add3A_134, %max3A_136 : vector<3200x64xf32>
    %reshape3A_138 = vector.shape_cast %max3A_137 : vector<3200x64xf32> to vector<400x8x64xf32>
    %reduce_sum3A_139 = arith.constant dense<0.000000e+00> : vector<400x64xf32>
    %reduce_sum3A_140 = vector.multi_reduction <add>, %reshape3A_138, %reduce_sum3A_139 [1] : vector<400x8x64xf32> to vector<400x64xf32>
    %mul3A_141 = arith.constant 1.250000e-01 : f32
    %mul3A_142 = vector.broadcast %mul3A_141 : f32 to vector<400x64xf32>
    %mul3A_143 = arith.mulf %reduce_sum3A_140, %mul3A_142 : vector<400x64xf32>
    %add3A_144 = arith.addf %max3A_21, %mul3A_143 : vector<400x64xf32>
    %get3A_145 = arith.constant 0 : index
    %get3A_146 = arith.constant 0 : index
    %get3A_147 = vector.load %arg8[%get3A_145, %get3A_146] : memref<64x41xf32, #tpu.memory_space<vmem>>, vector<64x41xf32>
    %dot_general3A_148 = arith.constant dense<0.000000e+00> : vector<400x41xf32>
    %dot_general3A_149 = tpu.matmul %add3A_144, %get3A_147, %dot_general3A_148 {dimension_numbers = #tpu.dot_dimension_numbers<[1], [0], [0], [1], [0, 0, 1, 1], [], []>, transpose_lhs_hint = false} : vector<400x64xf32>, vector<64x41xf32>, vector<400x41xf32> -> vector<400x41xf32>
    %get3A_150 = arith.constant 0 : index
    %get3A_151 = arith.constant 0 : index
    %get3A_152 = vector.load %arg9[%get3A_150, %get3A_151] : memref<1x41xf32, #tpu.memory_space<vmem>>, vector<1x41xf32>
    %add3A_153 = vector.broadcast %get3A_152 : vector<1x41xf32> to vector<400x41xf32>
    %add3A_154 = arith.addf %dot_general3A_149, %add3A_153 : vector<400x41xf32>
    %swap3A = arith.constant 0 : index
    %swap3A_155 = arith.constant 0 : index
    %swap3A_156 = vector.load %arg11[%swap3A, %swap3A_155] : memref<400x41xf32, #tpu.memory_space<vmem>>, vector<400x41xf32>
    tpu.vector_store %arg11[%swap3A, %swap3A_155], %add3A_154 {strides = array<i32>} : memref<400x41xf32, #tpu.memory_space<vmem>>, vector<400x41xf32>,
    %get3A_157 = arith.constant 0 : index
    %get3A_158 = arith.constant 0 : index
    %get3A_159 = vector.load %arg4[%get3A_157, %get3A_158] : memref<400x128xf32, #tpu.memory_space<vmem>>, vector<400x128xf32>
    %dot_general3A_160 = arith.constant dense<0.000000e+00> : vector<400x64xf32>
    %dot_general3A_161 = tpu.matmul %get3A_159, %get3A_7, %dot_general3A_160 {dimension_numbers = #tpu.dot_dimension_numbers<[1], [0], [0], [1], [0, 0, 1, 1], [], []>, transpose_lhs_hint = false} : vector<400x128xf32>, vector<128x64xf32>, vector<400x64xf32> -> vector<400x64xf32>
    %max3A_162 = arith.constant 0.000000e+00 : f32
    %max3A_163 = vector.broadcast %max3A_162 : f32 to vector<400x64xf32>
    %max3A_164 = arith.maximumf %dot_general3A_161, %max3A_163 : vector<400x64xf32>
    %swap3A_165 = arith.constant 0 : index
    %swap3A_166 = arith.constant 0 : index
    %swap3A_167 = vector.load %arg12[%swap3A_165, %swap3A_166] : memref<400x64xf32, #tpu.memory_space<vmem>>, vector<400x64xf32>
    tpu.vector_store %arg12[%swap3A_165, %swap3A_166], %max3A_164 {strides = array<i32>} : memref<400x64xf32, #tpu.memory_space<vmem>>, vector<400x64xf32>,
    %get3A_168 = arith.constant 0 : index
    %get3A_169 = arith.constant 0 : index
    %get3A_170 = vector.load %arg5[%get3A_168, %get3A_169] : memref<6400x128xf32, #tpu.memory_space<vmem>>, vector<6400x128xf32>
    %dot_general3A_171 = arith.constant dense<0.000000e+00> : vector<6400x64xf32>
    %dot_general3A_172 = tpu.matmul %get3A_170, %get3A_7, %dot_general3A_171 {dimension_numbers = #tpu.dot_dimension_numbers<[1], [0], [0], [1], [0, 0, 1, 1], [], []>, transpose_lhs_hint = false} : vector<6400x128xf32>, vector<128x64xf32>, vector<6400x64xf32> -> vector<6400x64xf32>
    %max3A_173 = arith.constant 0.000000e+00 : f32
    %max3A_174 = vector.broadcast %max3A_173 : f32 to vector<6400x64xf32>
    %max3A_175 = arith.maximumf %dot_general3A_172, %max3A_174 : vector<6400x64xf32>
    %iota3A_176 = tpu.iota {dimensions = array<i32: 0>} : vector<128x256xi32>
    %iota3A_177 = tpu.iota {dimensions = array<i32: 1>} : vector<128x256xi32>
    %jit3A_178 = arith.constant 2 : i32
    %div3A_179 = vector.broadcast %jit3A_178 : i32 to vector<128x256xi32>
    %div3A_180 = arith.divsi %iota3A_177, %div3A_179 : vector<128x256xi32>
    %sign3A_181 = arith.constant 0 : i32
    %sign3A_182 = vector.broadcast %sign3A_181 : i32 to vector<128x256xi32>
    %sign3A_183 = arith.cmpi sgt, %iota3A_177, %sign3A_182 : vector<128x256xi32>
    %sign3A_184 = arith.extui %sign3A_183 : vector<128x256xi1> to vector<128x256xi32>
    %sign3A_185 = arith.constant 0 : i32
    %sign3A_186 = vector.broadcast %sign3A_185 : i32 to vector<128x256xi32>
    %sign3A_187 = arith.cmpi slt, %iota3A_177, %sign3A_186 : vector<128x256xi32>
    %sign3A_188 = arith.extui %sign3A_187 : vector<128x256xi1> to vector<128x256xi32>
    %sign3A_189 = arith.subi %sign3A_184, %sign3A_188 : vector<128x256xi32>
    %sign3A_190 = arith.constant 0 : i32
    %sign3A_191 = arith.cmpi sgt, %jit3A_178, %sign3A_190 : i32
    %sign3A_192 = arith.extui %sign3A_191 : i1 to i32
    %sign3A_193 = arith.constant 0 : i32
    %sign3A_194 = arith.cmpi slt, %jit3A_178, %sign3A_193 : i32
    %sign3A_195 = arith.extui %sign3A_194 : i1 to i32
    %sign3A_196 = arith.subi %sign3A_192, %sign3A_195 : i32
    %ne3A_197 = vector.broadcast %sign3A_196 : i32 to vector<128x256xi32>
    %ne3A_198 = arith.cmpi ne, %sign3A_189, %ne3A_197 : vector<128x256xi32>
    %rem3A_199 = vector.broadcast %jit3A_178 : i32 to vector<128x256xi32>
    %rem3A_200 = arith.remsi %iota3A_177, %rem3A_199 : vector<128x256xi32>
    %ne3A_201 = arith.constant 0 : i32
    %ne3A_202 = vector.broadcast %ne3A_201 : i32 to vector<128x256xi32>
    %ne3A_203 = arith.cmpi ne, %rem3A_200, %ne3A_202 : vector<128x256xi32>
    %and3A_204 = arith.andi %ne3A_198, %ne3A_203 : vector<128x256xi1>
    %sub3A_205 = arith.constant 1 : i32
    %sub3A_206 = vector.broadcast %sub3A_205 : i32 to vector<128x256xi32>
    %sub3A_207 = arith.subi %div3A_180, %sub3A_206 : vector<128x256xi32>
    %select_n3A_208 = arith.select %and3A_204, %sub3A_207, %div3A_180 : vector<128x256xi1>, vector<128x256xi32>
    %eq3A_209 = arith.cmpi eq, %select_n3A_208, %iota3A_176 : vector<128x256xi32>
    %jit3A_210 = arith.constant 5.000000e-01 : f32
    %jit3A_211 = arith.constant 0.000000e+00 : f32
    %broadcast_in_dim3A_212 = vector.broadcast %jit3A_210 : f32 to vector<128x256xf32>
    %broadcast_in_dim3A_213 = vector.broadcast %jit3A_211 : f32 to vector<128x256xf32>
    %select_n3A_214 = arith.select %eq3A_209, %broadcast_in_dim3A_212, %broadcast_in_dim3A_213 : vector<128x256xi1>, vector<128x256xf32>
    %slice3A_215 = vector.extract_strided_slice %max3A_175 {offsets = [0, 0], sizes = [256, 64], strides = [1, 1]} : vector<6400x64xf32> to vector<256x64xf32>
    %dot_general3A_216 = arith.constant dense<0.000000e+00> : vector<128x64xf32>
    %dot_general3A_217 = tpu.matmul %select_n3A_214, %slice3A_215, %dot_general3A_216 {dimension_numbers = #tpu.dot_dimension_numbers<[1], [0], [0], [1], [0, 0, 1, 1], [], []>, transpose_lhs_hint = false} : vector<128x256xf32>, vector<256x64xf32>, vector<128x64xf32> -> vector<128x64xf32>
    %slice3A_218 = vector.extract_strided_slice %max3A_175 {offsets = [256, 0], sizes = [256, 64], strides = [1, 1]} : vector<6400x64xf32> to vector<256x64xf32>
    %dot_general3A_219 = arith.constant dense<0.000000e+00> : vector<128x64xf32>
    %dot_general3A_220 = tpu.matmul %select_n3A_214, %slice3A_218, %dot_general3A_219 {dimension_numbers = #tpu.dot_dimension_numbers<[1], [0], [0], [1], [0, 0, 1, 1], [], []>, transpose_lhs_hint = false} : vector<128x256xf32>, vector<256x64xf32>, vector<128x64xf32> -> vector<128x64xf32>
    %slice3A_221 = vector.extract_strided_slice %max3A_175 {offsets = [512, 0], sizes = [256, 64], strides = [1, 1]} : vector<6400x64xf32> to vector<256x64xf32>
    %dot_general3A_222 = arith.constant dense<0.000000e+00> : vector<128x64xf32>
    %dot_general3A_223 = tpu.matmul %select_n3A_214, %slice3A_221, %dot_general3A_222 {dimension_numbers = #tpu.dot_dimension_numbers<[1], [0], [0], [1], [0, 0, 1, 1], [], []>, transpose_lhs_hint = false} : vector<128x256xf32>, vector<256x64xf32>, vector<128x64xf32> -> vector<128x64xf32>
    %slice3A_224 = vector.extract_strided_slice %max3A_175 {offsets = [768, 0], sizes = [256, 64], strides = [1, 1]} : vector<6400x64xf32> to vector<256x64xf32>
    %dot_general3A_225 = arith.constant dense<0.000000e+00> : vector<128x64xf32>
    %dot_general3A_226 = tpu.matmul %select_n3A_214, %slice3A_224, %dot_general3A_225 {dimension_numbers = #tpu.dot_dimension_numbers<[1], [0], [0], [1], [0, 0, 1, 1], [], []>, transpose_lhs_hint = false} : vector<128x256xf32>, vector<256x64xf32>, vector<128x64xf32> -> vector<128x64xf32>
    %slice3A_227 = vector.extract_strided_slice %max3A_175 {offsets = [1024, 0], sizes = [256, 64], strides = [1, 1]} : vector<6400x64xf32> to vector<256x64xf32>
    %dot_general3A_228 = arith.constant dense<0.000000e+00> : vector<128x64xf32>
    %dot_general3A_229 = tpu.matmul %select_n3A_214, %slice3A_227, %dot_general3A_228 {dimension_numbers = #tpu.dot_dimension_numbers<[1], [0], [0], [1], [0, 0, 1, 1], [], []>, transpose_lhs_hint = false} : vector<128x256xf32>, vector<256x64xf32>, vector<128x64xf32> -> vector<128x64xf32>
    %slice3A_230 = vector.extract_strided_slice %max3A_175 {offsets = [1280, 0], sizes = [256, 64], strides = [1, 1]} : vector<6400x64xf32> to vector<256x64xf32>
    %dot_general3A_231 = arith.constant dense<0.000000e+00> : vector<128x64xf32>
    %dot_general3A_232 = tpu.matmul %select_n3A_214, %slice3A_230, %dot_general3A_231 {dimension_numbers = #tpu.dot_dimension_numbers<[1], [0], [0], [1], [0, 0, 1, 1], [], []>, transpose_lhs_hint = false} : vector<128x256xf32>, vector<256x64xf32>, vector<128x64xf32> -> vector<128x64xf32>
    %slice3A_233 = vector.extract_strided_slice %max3A_175 {offsets = [1536, 0], sizes = [256, 64], strides = [1, 1]} : vector<6400x64xf32> to vector<256x64xf32>
    %dot_general3A_234 = arith.constant dense<0.000000e+00> : vector<128x64xf32>
    %dot_general3A_235 = tpu.matmul %select_n3A_214, %slice3A_233, %dot_general3A_234 {dimension_numbers = #tpu.dot_dimension_numbers<[1], [0], [0], [1], [0, 0, 1, 1], [], []>, transpose_lhs_hint = false} : vector<128x256xf32>, vector<256x64xf32>, vector<128x64xf32> -> vector<128x64xf32>
    %slice3A_236 = vector.extract_strided_slice %max3A_175 {offsets = [1792, 0], sizes = [256, 64], strides = [1, 1]} : vector<6400x64xf32> to vector<256x64xf32>
    %dot_general3A_237 = arith.constant dense<0.000000e+00> : vector<128x64xf32>
    %dot_general3A_238 = tpu.matmul %select_n3A_214, %slice3A_236, %dot_general3A_237 {dimension_numbers = #tpu.dot_dimension_numbers<[1], [0], [0], [1], [0, 0, 1, 1], [], []>, transpose_lhs_hint = false} : vector<128x256xf32>, vector<256x64xf32>, vector<128x64xf32> -> vector<128x64xf32>
    %slice3A_239 = vector.extract_strided_slice %max3A_175 {offsets = [2048, 0], sizes = [256, 64], strides = [1, 1]} : vector<6400x64xf32> to vector<256x64xf32>
    %dot_general3A_240 = arith.constant dense<0.000000e+00> : vector<128x64xf32>
    %dot_general3A_241 = tpu.matmul %select_n3A_214, %slice3A_239, %dot_general3A_240 {dimension_numbers = #tpu.dot_dimension_numbers<[1], [0], [0], [1], [0, 0, 1, 1], [], []>, transpose_lhs_hint = false} : vector<128x256xf32>, vector<256x64xf32>, vector<128x64xf32> -> vector<128x64xf32>
    %slice3A_242 = vector.extract_strided_slice %max3A_175 {offsets = [2304, 0], sizes = [256, 64], strides = [1, 1]} : vector<6400x64xf32> to vector<256x64xf32>
    %dot_general3A_243 = arith.constant dense<0.000000e+00> : vector<128x64xf32>
    %dot_general3A_244 = tpu.matmul %select_n3A_214, %slice3A_242, %dot_general3A_243 {dimension_numbers = #tpu.dot_dimension_numbers<[1], [0], [0], [1], [0, 0, 1, 1], [], []>, transpose_lhs_hint = false} : vector<128x256xf32>, vector<256x64xf32>, vector<128x64xf32> -> vector<128x64xf32>
    %slice3A_245 = vector.extract_strided_slice %max3A_175 {offsets = [2560, 0], sizes = [256, 64], strides = [1, 1]} : vector<6400x64xf32> to vector<256x64xf32>
    %dot_general3A_246 = arith.constant dense<0.000000e+00> : vector<128x64xf32>
    %dot_general3A_247 = tpu.matmul %select_n3A_214, %slice3A_245, %dot_general3A_246 {dimension_numbers = #tpu.dot_dimension_numbers<[1], [0], [0], [1], [0, 0, 1, 1], [], []>, transpose_lhs_hint = false} : vector<128x256xf32>, vector<256x64xf32>, vector<128x64xf32> -> vector<128x64xf32>
    %slice3A_248 = vector.extract_strided_slice %max3A_175 {offsets = [2816, 0], sizes = [256, 64], strides = [1, 1]} : vector<6400x64xf32> to vector<256x64xf32>
    %dot_general3A_249 = arith.constant dense<0.000000e+00> : vector<128x64xf32>
    %dot_general3A_250 = tpu.matmul %select_n3A_214, %slice3A_248, %dot_general3A_249 {dimension_numbers = #tpu.dot_dimension_numbers<[1], [0], [0], [1], [0, 0, 1, 1], [], []>, transpose_lhs_hint = false} : vector<128x256xf32>, vector<256x64xf32>, vector<128x64xf32> -> vector<128x64xf32>
    %slice3A_251 = vector.extract_strided_slice %max3A_175 {offsets = [3072, 0], sizes = [256, 64], strides = [1, 1]} : vector<6400x64xf32> to vector<256x64xf32>
    %dot_general3A_252 = arith.constant dense<0.000000e+00> : vector<128x64xf32>
    %dot_general3A_253 = tpu.matmul %select_n3A_214, %slice3A_251, %dot_general3A_252 {dimension_numbers = #tpu.dot_dimension_numbers<[1], [0], [0], [1], [0, 0, 1, 1], [], []>, transpose_lhs_hint = false} : vector<128x256xf32>, vector<256x64xf32>, vector<128x64xf32> -> vector<128x64xf32>
    %slice3A_254 = vector.extract_strided_slice %max3A_175 {offsets = [3328, 0], sizes = [256, 64], strides = [1, 1]} : vector<6400x64xf32> to vector<256x64xf32>
    %dot_general3A_255 = arith.constant dense<0.000000e+00> : vector<128x64xf32>
    %dot_general3A_256 = tpu.matmul %select_n3A_214, %slice3A_254, %dot_general3A_255 {dimension_numbers = #tpu.dot_dimension_numbers<[1], [0], [0], [1], [0, 0, 1, 1], [], []>, transpose_lhs_hint = false} : vector<128x256xf32>, vector<256x64xf32>, vector<128x64xf32> -> vector<128x64xf32>
    %slice3A_257 = vector.extract_strided_slice %max3A_175 {offsets = [3584, 0], sizes = [256, 64], strides = [1, 1]} : vector<6400x64xf32> to vector<256x64xf32>
    %dot_general3A_258 = arith.constant dense<0.000000e+00> : vector<128x64xf32>
    %dot_general3A_259 = tpu.matmul %select_n3A_214, %slice3A_257, %dot_general3A_258 {dimension_numbers = #tpu.dot_dimension_numbers<[1], [0], [0], [1], [0, 0, 1, 1], [], []>, transpose_lhs_hint = false} : vector<128x256xf32>, vector<256x64xf32>, vector<128x64xf32> -> vector<128x64xf32>
    %slice3A_260 = vector.extract_strided_slice %max3A_175 {offsets = [3840, 0], sizes = [256, 64], strides = [1, 1]} : vector<6400x64xf32> to vector<256x64xf32>
    %dot_general3A_261 = arith.constant dense<0.000000e+00> : vector<128x64xf32>
    %dot_general3A_262 = tpu.matmul %select_n3A_214, %slice3A_260, %dot_general3A_261 {dimension_numbers = #tpu.dot_dimension_numbers<[1], [0], [0], [1], [0, 0, 1, 1], [], []>, transpose_lhs_hint = false} : vector<128x256xf32>, vector<256x64xf32>, vector<128x64xf32> -> vector<128x64xf32>
    %slice3A_263 = vector.extract_strided_slice %max3A_175 {offsets = [4096, 0], sizes = [256, 64], strides = [1, 1]} : vector<6400x64xf32> to vector<256x64xf32>
    %dot_general3A_264 = arith.constant dense<0.000000e+00> : vector<128x64xf32>
    %dot_general3A_265 = tpu.matmul %select_n3A_214, %slice3A_263, %dot_general3A_264 {dimension_numbers = #tpu.dot_dimension_numbers<[1], [0], [0], [1], [0, 0, 1, 1], [], []>, transpose_lhs_hint = false} : vector<128x256xf32>, vector<256x64xf32>, vector<128x64xf32> -> vector<128x64xf32>
    %slice3A_266 = vector.extract_strided_slice %max3A_175 {offsets = [4352, 0], sizes = [256, 64], strides = [1, 1]} : vector<6400x64xf32> to vector<256x64xf32>
    %dot_general3A_267 = arith.constant dense<0.000000e+00> : vector<128x64xf32>
    %dot_general3A_268 = tpu.matmul %select_n3A_214, %slice3A_266, %dot_general3A_267 {dimension_numbers = #tpu.dot_dimension_numbers<[1], [0], [0], [1], [0, 0, 1, 1], [], []>, transpose_lhs_hint = false} : vector<128x256xf32>, vector<256x64xf32>, vector<128x64xf32> -> vector<128x64xf32>
    %slice3A_269 = vector.extract_strided_slice %max3A_175 {offsets = [4608, 0], sizes = [256, 64], strides = [1, 1]} : vector<6400x64xf32> to vector<256x64xf32>
    %dot_general3A_270 = arith.constant dense<0.000000e+00> : vector<128x64xf32>
    %dot_general3A_271 = tpu.matmul %select_n3A_214, %slice3A_269, %dot_general3A_270 {dimension_numbers = #tpu.dot_dimension_numbers<[1], [0], [0], [1], [0, 0, 1, 1], [], []>, transpose_lhs_hint = false} : vector<128x256xf32>, vector<256x64xf32>, vector<128x64xf32> -> vector<128x64xf32>
    %slice3A_272 = vector.extract_strided_slice %max3A_175 {offsets = [4864, 0], sizes = [256, 64], strides = [1, 1]} : vector<6400x64xf32> to vector<256x64xf32>
    %dot_general3A_273 = arith.constant dense<0.000000e+00> : vector<128x64xf32>
    %dot_general3A_274 = tpu.matmul %select_n3A_214, %slice3A_272, %dot_general3A_273 {dimension_numbers = #tpu.dot_dimension_numbers<[1], [0], [0], [1], [0, 0, 1, 1], [], []>, transpose_lhs_hint = false} : vector<128x256xf32>, vector<256x64xf32>, vector<128x64xf32> -> vector<128x64xf32>
    %slice3A_275 = vector.extract_strided_slice %max3A_175 {offsets = [5120, 0], sizes = [256, 64], strides = [1, 1]} : vector<6400x64xf32> to vector<256x64xf32>
    %dot_general3A_276 = arith.constant dense<0.000000e+00> : vector<128x64xf32>
    %dot_general3A_277 = tpu.matmul %select_n3A_214, %slice3A_275, %dot_general3A_276 {dimension_numbers = #tpu.dot_dimension_numbers<[1], [0], [0], [1], [0, 0, 1, 1], [], []>, transpose_lhs_hint = false} : vector<128x256xf32>, vector<256x64xf32>, vector<128x64xf32> -> vector<128x64xf32>
    %slice3A_278 = vector.extract_strided_slice %max3A_175 {offsets = [5376, 0], sizes = [256, 64], strides = [1, 1]} : vector<6400x64xf32> to vector<256x64xf32>
    %dot_general3A_279 = arith.constant dense<0.000000e+00> : vector<128x64xf32>
    %dot_general3A_280 = tpu.matmul %select_n3A_214, %slice3A_278, %dot_general3A_279 {dimension_numbers = #tpu.dot_dimension_numbers<[1], [0], [0], [1], [0, 0, 1, 1], [], []>, transpose_lhs_hint = false} : vector<128x256xf32>, vector<256x64xf32>, vector<128x64xf32> -> vector<128x64xf32>
    %slice3A_281 = vector.extract_strided_slice %max3A_175 {offsets = [5632, 0], sizes = [256, 64], strides = [1, 1]} : vector<6400x64xf32> to vector<256x64xf32>
    %dot_general3A_282 = arith.constant dense<0.000000e+00> : vector<128x64xf32>
    %dot_general3A_283 = tpu.matmul %select_n3A_214, %slice3A_281, %dot_general3A_282 {dimension_numbers = #tpu.dot_dimension_numbers<[1], [0], [0], [1], [0, 0, 1, 1], [], []>, transpose_lhs_hint = false} : vector<128x256xf32>, vector<256x64xf32>, vector<128x64xf32> -> vector<128x64xf32>
    %slice3A_284 = vector.extract_strided_slice %max3A_175 {offsets = [5888, 0], sizes = [256, 64], strides = [1, 1]} : vector<6400x64xf32> to vector<256x64xf32>
    %dot_general3A_285 = arith.constant dense<0.000000e+00> : vector<128x64xf32>
    %dot_general3A_286 = tpu.matmul %select_n3A_214, %slice3A_284, %dot_general3A_285 {dimension_numbers = #tpu.dot_dimension_numbers<[1], [0], [0], [1], [0, 0, 1, 1], [], []>, transpose_lhs_hint = false} : vector<128x256xf32>, vector<256x64xf32>, vector<128x64xf32> -> vector<128x64xf32>
    %slice3A_287 = vector.extract_strided_slice %max3A_175 {offsets = [6144, 0], sizes = [256, 64], strides = [1, 1]} : vector<6400x64xf32> to vector<256x64xf32>
    %dot_general3A_288 = arith.constant dense<0.000000e+00> : vector<128x64xf32>
    %dot_general3A_289 = tpu.matmul %select_n3A_214, %slice3A_287, %dot_general3A_288 {dimension_numbers = #tpu.dot_dimension_numbers<[1], [0], [0], [1], [0, 0, 1, 1], [], []>, transpose_lhs_hint = false} : vector<128x256xf32>, vector<256x64xf32>, vector<128x64xf32> -> vector<128x64xf32>
    %concatenate3A_290 = tpu.concatenate %dot_general3A_217, %dot_general3A_220, %dot_general3A_223, %dot_general3A_226, %dot_general3A_229, %dot_general3A_232, %dot_general3A_235, %dot_general3A_238, %dot_general3A_241, %dot_general3A_244, %dot_general3A_247, %dot_general3A_250, %dot_general3A_253, %dot_general3A_256, %dot_general3A_259, %dot_general3A_262, %dot_general3A_265, %dot_general3A_268, %dot_general3A_271, %dot_general3A_274, %dot_general3A_277, %dot_general3A_280, %dot_general3A_283, %dot_general3A_286, %dot_general3A_289 in 0 : vector<128x64xf32>, vector<128x64xf32>, vector<128x64xf32>, vector<128x64xf32>, vector<128x64xf32>, vector<128x64xf32>, vector<128x64xf32>, vector<128x64xf32>, vector<128x64xf32>, vector<128x64xf32>, vector<128x64xf32>, vector<128x64xf32>, vector<128x64xf32>, vector<128x64xf32>, vector<128x64xf32>, vector<128x64xf32>, vector<128x64xf32>, vector<128x64xf32>, vector<128x64xf32>, vector<128x64xf32>, vector<128x64xf32>, vector<128x64xf32>, vector<128x64xf32>, vector<128x64xf32>, vector<128x64xf32> -> vector<3200x64xf32>
    %convert_element_type3A = arith.truncf %concatenate3A_290 : vector<3200x64xf32> to vector<3200x64xbf16>
    %swap3A_291 = arith.constant 0 : index
    %swap3A_292 = arith.constant 0 : index
    %swap3A_293 = vector.load %arg13[%swap3A_291, %swap3A_292] : memref<3200x64xbf16, #tpu.memory_space<vmem>>, vector<3200x64xbf16>
    tpu.vector_store %arg13[%swap3A_291, %swap3A_292], %convert_element_type3A {strides = array<i32>} : memref<3200x64xbf16, #tpu.memory_space<vmem>>, vector<3200x64xbf16>,
    return
  }
  func.func @transform_0(%arg0: i32) -> (i32, i32) {
    %c0_i32 = arith.constant 0 : i32
    %c0_i32_0 = arith.constant 0 : i32
    return %arg0, %c0_i32 : i32, i32
  }
  func.func @transform_1(%arg0: i32) -> (i32, i32) {
    %c0_i32 = arith.constant 0 : i32
    %c0_i32_0 = arith.constant 0 : i32
    return %arg0, %c0_i32 : i32, i32
  }
  func.func @transform_2(%arg0: i32) -> (i32, i32) {
    %c0_i32 = arith.constant 0 : i32
    %c0_i32_0 = arith.constant 0 : i32
    return %arg0, %c0_i32 : i32, i32
  }
  func.func @transform_3(%arg0: i32) -> (i32, i32) {
    %c0_i32 = arith.constant 0 : i32
    %c0_i32_0 = arith.constant 0 : i32
    return %arg0, %c0_i32 : i32, i32
  }
  func.func @transform_4(%arg0: i32) -> (i32, i32) {
    %c0_i32 = arith.constant 0 : i32
    %c0_i32_0 = arith.constant 0 : i32
    return %arg0, %c0_i32 : i32, i32
  }
  func.func @transform_5(%arg0: i32) -> (i32, i32) {
    %c0_i32 = arith.constant 0 : i32
    %c0_i32_0 = arith.constant 0 : i32
    %c0_i32_1 = arith.constant 0 : i32
    return %c0_i32, %c0_i32_0 : i32, i32
  }
  func.func @transform_6(%arg0: i32) -> (i32, i32) {
    %c0_i32 = arith.constant 0 : i32
    %c0_i32_0 = arith.constant 0 : i32
    %c0_i32_1 = arith.constant 0 : i32
    return %c0_i32, %c0_i32_0 : i32, i32
  }
  func.func @transform_7(%arg0: i32) -> (i32, i32) {
    %c0_i32 = arith.constant 0 : i32
    %c0_i32_0 = arith.constant 0 : i32
    %c0_i32_1 = arith.constant 0 : i32
    return %c0_i32, %c0_i32_0 : i32, i32
  }
  func.func @transform_8(%arg0: i32) -> (i32, i32) {
    %c0_i32 = arith.constant 0 : i32
    %c0_i32_0 = arith.constant 0 : i32
    %c0_i32_1 = arith.constant 0 : i32
    return %c0_i32, %c0_i32_0 : i32, i32
  }
  func.func @transform_9(%arg0: i32) -> (i32, i32) {
    %c0_i32 = arith.constant 0 : i32
    %c0_i32_0 = arith.constant 0 : i32
    %c0_i32_1 = arith.constant 0 : i32
    return %c0_i32, %c0_i32_0 : i32, i32
  }
  func.func @transform_10(%arg0: i32) -> (i32, i32) {
    %c0_i32 = arith.constant 0 : i32
    %c0_i32_0 = arith.constant 0 : i32
    return %arg0, %c0_i32 : i32, i32
  }
  func.func @transform_11(%arg0: i32) -> (i32, i32) {
    %c0_i32 = arith.constant 0 : i32
    %c0_i32_0 = arith.constant 0 : i32
    return %arg0, %c0_i32 : i32, i32
  }
  func.func @transform_12(%arg0: i32) -> (i32, i32) {
    %c0_i32 = arith.constant 0 : i32
    %c0_i32_0 = arith.constant 0 : i32
    return %arg0, %c0_i32 : i32, i32
  }
}

</mosaic_0001>

<sc_bundles>
// kernel: kernel.5.cloned.1.call-start
scs
__scs_entry_jumppad:
0x0: {  	(pc) =	sbr.rel $0x88, $3  }
0x1: {  	(tag) =	ssettag $0x0;
	lr =	simm.s32 $0x1  }
0x2: {  	[smem:$0x3F91] =	sst lr;
	_ =	strace $0xD0000000  }
0x3: {  	_ = 	snop  }
0x4: {  	_ = 	snop  }
0x5: {  	_ = 	snop  }
0x6: {  	_ = 	snop  }
0x7: {  	_ = 	snop  }
__scs_overlays_trampoline_lowered:
0x8: {  	[smem:$0x3FA0] =	sst s0  }
0x9: {  	[smem:$0x3FA1] =	sst s1  }
0xa: {  	[smem:$0x3FA2] =	sst s2  }
0xb: {  	[smem:$0x3FA3] =	sst s3  }
0xc: {  	[smem:$0x3FA4] =	sst s4  }
0xd: {  	[smem:$0x3FA5] =	sst s5  }
0xe: {  	[smem:$0x3FA6] =	sst s6  }
0xf: {  	[smem:$0x3FA7] =	sst s7  }
0x10: {  	[smem:$0x3FA8] =	sst s8  }
0x11: {  	[smem:$0x3FA9] =	sst s9;
	s0 =	simm.s32 @!p0 $0x0  }
0x12: {  	s1 =	sld [smem:$0x3F8F];
	s0 =	simm.s32 @p0 $0x1  }
0x13: {  	[smem:$0x3FAA] =	sst s0;
	s0 =	simm.s32 @!p1 $0x0  }
0x14: {  	s2 =	sld [smem:$0x3F8E];
	s0 =	simm.s32 @p1 $0x1  }
0x15: {  	[smem:$0x3FAB] =	sst s0;
	s0 =	simm.s32 @!p2 $0x0  }
0x16: {  	s3 =	sld [smem:$0x3FDB];
	s0 =	simm.s32 @p2 $0x1  }
0x17: {  	s4 =	simm.s32 $0x1BF5;
	[smem:$0x3FAD] =	sst s0  }
0x18: {  	s0 =	sld [smem:$0x3F90];
	_ =	swait.ge [sflag:s4], $0x0  }
0x19: {  	s7 =	sld [smem:$0x3F91]  }
0x1a: {  	s8 =	sadd.s32 $0xFFFFE003, lr  }
0x1b: {  	s9 =	sadd.s32 $0xFFFFFEF7, lr;
	s5 =	simm.s32 $0xFFFFFFFF;
	p2 =	slt.u32 s8, $0xFFFFF086  }
0x1c: {  	p1 =	slt.u32 s9, $0xF7A;
	s5 =	simm.s32 @!p2 $0x0  }
0x1d: {  	s5 =	simm.s32 @p1 $0x1;
	p0 =	seq.s32 s7, s2  }
0x1e: {  	s7 =	smul.u32 @!p0 $0xF7A, s2;
	p2 =	seq.s32 @!p0 s5, $0x0  }
0x1f: {  	s9 =	smul.u32 $0xF7A, s1;
	s8 =	simm.s32 @!p0 $0x1BF5;
	p2 =	por !p2, p0  }
0x20: {  	[sflag:s8] =	ssyncset.s32 @!p0 $0xFFFFF086;
	s6 =	sadd.s32 @!p0 s3, s7;
	s7 =	simm.s32 @!p0 $0x108  }
0x21: {  	s3 =	sadd.s32 s3, s9;
	s6 =	sadd.s32 @!p0 $0x88, s6;
	s7 =	simm.s32 @p2 $0x1082  }
0x22: {  	[simem:s7], [sflag:s8] =	dma.local @!p0 [hbm:s6], $0xF7A  }
0x23: {  	s9 =	sor.u32 $0xD0000000, s2;
	s6 =	simm.s32 $0x108;
	_ =	swait.ge @!p0 [sflag:s8], $0x0  }
0x24: {  	s3 =	sadd.s32 $0x88, s3;
	s6 =	simm.s32 @!p1 $0x1082;
	[sflag:s4] =	ssyncset.s32 $0xFFFFF086  }
0x25: {  	[simem:s6], [sflag:s4] =	dma.local [hbm:s3], $0xF7A  }
0x26: {  	[smem:$0x3F91] =	sst s1;
	(tag) =	ssettag s2;
	_ =	strace s9  }
0x27: {  	s1 =	sld [smem:$0x3FA1]  }
0x28: {  	s2 =	sld [smem:$0x3FA2]  }
0x29: {  	s4 =	sld [smem:$0x3FA4]  }
0x2a: {  	p0 =	seq.s32 s5, $0x0;
	s5 =	sld [smem:$0x3FA5]  }
0x2b: {  	s6 =	sld [smem:$0x3FA6]  }
0x2c: {  	s7 =	sld [smem:$0x3FA7]  }
0x2d: {  	s3 =	simm.s32 $0x108;
	s8 =	sld [smem:$0x3FA8]  }
0x2e: {  	s3 =	simm.s32 @!p0 $0x1082;
	s9 =	sld [smem:$0x3FA9]  }
0x2f: {  	lr =	sadd.s32 s0, s3;
	s0 =	sld [smem:$0x3FA0]  }
0x30: {  	s3 =	sld [smem:$0x3FA3]  }
0x31: {  	[smem:$0x3FAC] =	sst s10  }
0x32: {  	s10 =	sld [smem:$0x3FAA];
	_ =	sdelay $0x3  }
0x33: {  	p0 =	seq.s32 s10, $0x1;
	s10 =	sld [smem:$0x3FAC];
	_ =	sdelay $0x3  }
0x34: {  	[smem:$0x3FAC] =	sst s10  }
0x35: {  	s10 =	sld [smem:$0x3FAB];
	_ =	sdelay $0x3  }
0x36: {  	p1 =	seq.s32 s10, $0x1;
	s10 =	sld [smem:$0x3FAC];
	_ =	sdelay $0x3  }
0x37: {  	[smem:$0x3FAC] =	sst s10  }
0x38: {  	s10 =	sld [smem:$0x3FAD]  }
0x39: {  	_ = 	snop;
	(pc) =	sbr.ind lr, $3  }
0x3a: {  	_ = 	snop  }
0x3b: {  	_ = 	snop  }
0x3c: {  	p2 =	seq.s32 s10, $0x1;
	s10 =	sld [smem:$0x3FAC]  }
0x3d: {  	_ =	shalt  }
0x3e: {  	_ =	shalt  }
0x3f: {  	_ =	shalt  }
0x40: {  	_ =	shalt  }
0x41: {  	_ =	shalt  }
0x42: {  	_ =	shalt  }
0x43: {  	_ =	shalt  }
0x44: {  	_ =	shalt  }
0x45: {  	_ =	shalt  }
0x46: {  	_ =	shalt  }
0x47: {  	_ =	shalt  }
0x48: {  	_ =	shalt  }
0x49: {  	_ =	shalt  }
0x4a: {  	_ =	shalt  }
0x4b: {  	_ =	shalt  }
0x4c: {  	_ =	shalt  }
0x4d: {  	_ =	shalt  }
0x4e: {  	_ =	shalt  }
0x4f: {  	_ =	shalt  }
0x50: {  	_ =	shalt  }
0x51: {  	_ =	shalt  }
0x52: {  	_ =	shalt  }
0x53: {  	_ =	shalt  }
0x54: {  	_ =	shalt  }
0x55: {  	_ =	shalt  }
0x56: {  	_ =	shalt  }
0x57: {  	_ =	shalt  }
0x58: {  	_ =	shalt  }
0x59: {  	_ =	shalt  }
0x5a: {  	_ =	shalt  }
0x5b: {  	_ =	shalt  }
0x5c: {  	_ =	shalt  }
0x5d: {  	_ =	shalt  }
0x5e: {  	_ =	shalt  }
0x5f: {  	_ =	shalt  }
0x60: {  	_ =	shalt  }
0x61: {  	_ =	shalt  }
0x62: {  	_ =	shalt  }
0x63: {  	_ =	shalt  }
0x64: {  	_ =	shalt  }
0x65: {  	_ =	shalt  }
0x66: {  	_ =	shalt  }
0x67: {  	_ =	shalt  }
0x68: {  	_ =	shalt  }
0x69: {  	_ =	shalt  }
0x6a: {  	_ =	shalt  }
0x6b: {  	_ =	shalt  }
0x6c: {  	_ =	shalt  }
0x6d: {  	_ =	shalt  }
0x6e: {  	_ =	shalt  }
0x6f: {  	_ =	shalt  }
0x70: {  	_ =	shalt  }
0x71: {  	_ =	shalt  }
0x72: {  	_ =	shalt  }
0x73: {  	_ =	shalt  }
0x74: {  	_ =	shalt  }
0x75: {  	_ =	shalt  }
0x76: {  	_ =	shalt  }
0x77: {  	_ =	shalt  }
0x78: {  	_ =	shalt  }
0x79: {  	_ =	shalt  }
0x7a: {  	_ =	shalt  }
0x7b: {  	_ =	shalt  }
0x7c: {  	_ =	shalt  }
0x7d: {  	_ =	shalt  }
0x7e: {  	_ =	shalt  }
0x7f: {  	_ =	shalt  }
0x80: {  	_ =	shalt  }
0x81: {  	_ =	shalt  }
0x82: {  	_ =	shalt  }
0x83: {  	_ =	shalt  }
0x84: {  	_ =	shalt  }
0x85: {  	_ =	shalt  }
0x86: {  	_ =	shalt  }
0x87: {  	_ =	shalt  }
.Lfunc_end0:
.L_simem_size_0:
called_computation_lowered:
.L_overlay_start_0:
0x88: {  	s2 =	sld [smem:$0x3FD9]  }
0x89: {  	s3 =	sld [smem:$0x3FFE];
	_ =	sdelay $0x1  }
0x8a: {  	s1 =	srdreg.scid  }
0x8b: {  	s0 =	sand.u32 $0x1, s1  }
0x8c: {  	s17 =	sshll.u32 s0, $0xA;
	s2 =	sadd.s32 s3, s2  }
0x8d: {  	s2 =	sadd.s32 s2, s17  }
0x8e: {  	[smem:$0x3FB8] =	sst s2  }
0x8f: {  	_ = 	snop  }
0x90: {  	s2 =	sld [smem:$0x3FD0];
	(tm) =	ssettm $0x1  }
0x91: {  	s18 =	sld [smem:$0x3FFB];
	_ =	sdelay $0x3  }
0x92: {  	_ =	strace s18  }
0x93: {  	s3 =	sld [smem:$0x3FFC];
	_ =	sdelay $0x3  }
0x94: {  	_ =	strace s3  }
0x95: {  	s3 =	sld [smem:$0x3FFD];
	_ =	sdelay $0x3  }
0x96: {  	_ =	strace s3  }
0x97: {  	_ =	strace $0x8FFFFFFF  }
0x98: {  	s19 =	sld [smem:$0x3FDB];
	_ =	sdelay $0x1  }
0x99: {  	s4 =	simm.s32 $_scs_section_size  }
0x9a: {  	s5 =	simm.s32 $_size__tile_overlayer_lowered;
	s6 =	simm.s32 $_tile_overlayer_lowered  }
0x9b: {  	s22 =	simm.s32 $0x1BFF;
	s21 =	sshll.u32 s6, $0x1;
	s3 =	sadd.s32 s4, s19  }
0x9c: {  	s7 =	simm.s32 $0x0;
	s20 =	sshll.u32 s5, $0x1;
	s5 =	sadd.s32 s21, s3  }
0x9d: {  	[timem:s7], [sflag:s22] =	dma.local [hbm:s5], s20  }
0x9e: {  	_ =	swait.ge [sflag:s22], s20  }
0x9f: {  	s4 =	ssub.s32 $0x0, s20;
	[sflag:s22] =	ssyncset.done $0x0  }
0xa0: {  	[sflag:s22] =	ssyncadd.s32 s4;
	_ =	sdelay $0x1  }
0xa1: {  	s23 =	simm.s32 $0x1B8B  }
0xa2: {  	_ =	swait.ge [sflag:s23], $0x1  }
0xa3: {  	[sflag:s23] =	ssyncset.done $0x0  }
0xa4: {  	s25 =	simm.s32 $0x1B8E;
	s24 =	sld [smem:$0x3FFE];
	[sflag:s23] =	ssyncadd.s32 $0xFFFFFFFF  }
0xa5: {  	s26 =	simm.s32 $execute0_lowered;
	[smem:$0x3FD2] =	sst s25  }
0xa6: {  	s5 =	sshll.u32 s26, $0x1;
	_ =	strace $0x80000046;
	[dreg:$0x1] =	wrdreg $0xFFFFFFFF  }
0xa7: {  	s28 =	simm.s32 $_size_execute0_lowered;
	s3 =	sadd.s32 s3, s5;
	[dreg:$0x0] =	wrdreg $0x0  }
0xa8: {  	s5 =	sshll.u32 s28, $0x1;
	[dreg:$0x2] =	wrdreg s3  }
0xa9: {  	[dreg:$0x3] =	wrdreg s5  }
0xaa: {  	[dreg:$0x4] =	wrdreg $0xC0  }
0xab: {  	_ =	task [dreg:s7], $0x5FFFF  }
0xac: {  	[dreg:$0x1] =	wrdreg $0xFFFFFFFF  }
0xad: {  	[dreg:$0x0] =	wrdreg $0x60  }
0xae: {  	[dreg:$0x2] =	wrdreg s24  }
0xaf: {  	[dreg:$0x3] =	wrdreg s2  }
0xb0: {  	[dreg:$0x4] =	wrdreg $0x9  }
0xb1: {  	_ =	task.clear_ibuf [dreg:s7], $0x5FFFF;
	_ =	strace $0x90000046  }
0xb2: {  	s29 =	simm.s32 $0x9;
	_ =	strace $0x80000048  }
0xb3: {  	_ =	swait.ge [sflag:s29], $0x1  }
0xb4: {  	[sflag:s29] =	ssyncadd.s32 $0xFFFFFFFF  }
0xb5: {  	_ =	strace $0x90000048  }
0xb6: {  	_ =	sfence  }
0xb7: {  	s30 =	sld [smem:$0x0];
	_ =	sdelay $0x2  }
0xb8: {  	s31 =	sshll.u32 s1, $0xD;
	s1 =	sshrl.u32 s1, $0x2  }
0xb9: {  	s3 =	sand.u32 $0x4000, s31;
	s1 =	sadd.s32 s1, s30  }
0xba: {  	s0 =	sor.u32 s3, s0;
	s1 =	sshll.u32 s1, $0x11  }
0xbb: {  	s0 =	sor.u32 s1, s0  }
0xbc: {  	s0 =	sadd.s32 $0x8F2B, s0  }
0xbd: {  	[sflag:s0] =	ssyncadd.remote.s32 $0x1  }
0xbe: {  	_ =	sfence.sel $0xFFFF  }
0xbf: {  	[dreg:$0x0] =	wrdreg $0xFFFFFFFF;
	(pc) =	sbr.abs _section_cstart, $3  }
0xc0: {  	[dreg:$0x1] =	wrdreg $0xFFFFFFFF  }
0xc1: {  	_ =	task.clear_ibuf [dreg:s7], $0x2FFFF;
	_ =	strace $0x9FFFFFFF  }
0xc2: {  	(tm) =	ssettm $0x7FFFFFFF  }
0xc3: {  	_ =	shalt  }
tec
execute0_lowered:
.L_overlay_start_1:
0x0: {  	(tag) =	ssettag $0x1  }
0x1: {  	s0 =	srdreg.scid;
	s17 =	stileid.u32  }
0x2: {  	s0 =	sand.u32 $0x1, s0;
	s2 =	sshll.u32 s17, $0x1  }
0x3: {  	s1 =	rddreg [dreg:$0x0];
	s2 =	sor.u32 s0, s2  }
0x4: {  	s3 =	rddreg [dreg:$0x1];
	s26 =	simm.s32 $0x0;
	s4 =	smul.u32 $0x140, s2  }
0x5: {  	s18 =	simm.s32 $0x100;
	[smem:$0x7FF] =	sst s26;
	s5 =	smul.u32 $0xA000, s2  }
0x6: {  	s6 =	sadd.s32 $0x2A00, s1;
	_ =	strace $0x80000047;
	[dreg:$0x17] =	wrdreg s18  }
0x7: {  	s2 =	smul.u32 $0x50000, s2;
	s3 =	sadd.s32 s3, s4;
	s25 =	sadd.s32 s6, s5  }
0x8: {  	[dreg:$0x3] =	wrdreg s3;
	s19 =	sadd.s32 $0x800, s25  }
0x9: {  	s2 =	sshrl.u32 s2, $0x3;
	s20 =	sadd.s32 $0x1000, s25;
	[dreg:$0x4] =	wrdreg s19  }
0xa: {  	s21 =	sadd.s32 $0x1800, s25;
	s2 =	sadd.s32 s6, s2;
	[dreg:$0x5] =	wrdreg s20  }
0xb: {  	[dreg:$0x6] =	wrdreg s21;
	s22 =	sadd.s32 $0x2000, s2  }
0xc: {  	s31 =	simm.s32 $0x9;
	s23 =	sadd.s32 $0x2800, s2;
	[dreg:$0x7] =	wrdreg s22  }
0xd: {  	s30 =	simm.s32 $0x500;
	s24 =	sadd.s32 $0x3000, s2;
	[dreg:$0x8] =	wrdreg s23  }
0xe: {  	s29 =	simm.s32 $0x580;
	s4 =	sadd.s32 $0x3800, s2;
	[dreg:$0x9] =	wrdreg s24  }
0xf: {  	s28 =	simm.s32 $0x600;
	s5 =	sadd.s32 $0x4000, s2;
	[dreg:$0xa] =	wrdreg s4  }
0x10: {  	p0 =	por $0x0, $0x0;
	s6 =	sadd.s32 $0x4800, s2;
	[dreg:$0xb] =	wrdreg s5  }
0x11: {  	s0 =	ssub.s32 $0x2, s0;
	s7 =	sadd.s32 $0x5000, s2;
	[dreg:$0xc] =	wrdreg s6  }
0x12: {  	s18 =	simm.s32 $0x980;
	s8 =	sadd.s32 $0x5800, s2;
	[dreg:$0xd] =	wrdreg s7  }
0x13: {  	s16 =	sshrl.u32 s0, $0x1;
	s9 =	sadd.s32 $0x6000, s2;
	[dreg:$0xe] =	wrdreg s8  }
0x14: {  	s0 =	ssub.s32 s0, s16;
	s10 =	sadd.s32 $0x6800, s2;
	[dreg:$0xf] =	wrdreg s9  }
0x15: {  	s16 =	simm.s32 $0x4;
	s11 =	sadd.s32 $0x7000, s2;
	[dreg:$0x10] =	wrdreg s10  }
0x16: {  	s0 =	smax.u32 s0, $0x1;
	s12 =	sadd.s32 $0x7800, s2;
	[dreg:$0x11] =	wrdreg s11  }
0x17: {  	s3 =	simm.s32 $0x6A00;
	s13 =	sadd.s32 $0x8000, s2;
	[dreg:$0x12] =	wrdreg s12  }
0x18: {  	p1 =	sne.s32 s0, $0x1;
	s14 =	sadd.s32 $0x8800, s2;
	[dreg:$0x13] =	wrdreg s13  }
0x19: {  	s15 =	sadd.s32 $0x9000, s2;
	s2 =	sadd.s32 $0x9800, s2;
	[dreg:$0x14] =	wrdreg s14  }
0x1a: {  	s19 =	simm.s32 $0x180;
	s20 =	simm.s32 $0x200;
	[dreg:$0x15] =	wrdreg s15  }
0x1b: {  	s21 =	simm.s32 $0x280;
	s11 =	sadd.s32 $0x189400, s1;
	[dreg:$0x16] =	wrdreg s2  }
0x1c: {  	s2 =	simm.s32 $0x80;
	s12 =	simm.s32 $0xA00;
	s8 =	simm.s32 $0x2A00  }
0x1d: {  	s5 =	simm.s32 $0x4A00;
	[dreg:$0x18] =	wrdreg s19;
	s13 =	simm.s32 $0x1  }
0x1e: {  	s6 =	simm.s32 $0x40;
	s4 =	simm.s32 $0x5;
	[dreg:$0x19] =	wrdreg s20  }
0x1f: {  	s14 =	simm.s32 $0x2;
	s7 =	simm.s32 $0x6;
	[dreg:$0x1a] =	wrdreg s21  }
0x20: {  	s22 =	simm.s32 $0x300;
	s15 =	simm.s32 $0x3;
	s23 =	simm.s32 $0x380  }
.Ltmp0:
0x21: {  	s1 =	sadd.s32 $0xFFFFFFFF, s0;
	s0 =	rddreg [dreg:$0x3];
	(pc) =	sbr.rel @!p1 .LBB2_1-.Ltmp0, $4  }
0x22: {  	s9 =	simm.s32 $0x7;
	s24 =	simm.s32 $0x400;
	[dreg:$0x1b] =	wrdreg s22  }
0x23: {  	s10 =	simm.s32 $0x8;
	s21 =	simm.s32 $0x800;
	[dreg:$0x1c] =	wrdreg s23  }
0x24: {  	s20 =	simm.s32 $0x880;
	s19 =	simm.s32 $0x900;
	[dreg:$0x1d] =	wrdreg s24  }
0x25: {  	s24 =	simm.s32 $0x680;
	s23 =	simm.s32 $0x700;
	s22 =	simm.s32 $0x780  }
0x26: {  	[tilespmem:s26], [sflag:$0x9] =	stream.linear.gather [hbm4b:s0+s26], $0xA00, $0x38;
	[tilespmem:$0x8A00] =	vst v63  }
0x27: {  	_ =	swait.ge [sflag:s31], $0xA00  }
0x28: {  	[sflag:s31] =	ssyncset.done $0x0  }
0x29: {  	[sflag:s31] =	ssyncadd.s32 $0xFFFFF600  }
0x2a: {  	[tilespmem:s12], [sflag:$0x1] =	stream.indirect.gather [hbm4b:s11+s2], $0x40, s26, s2, $0xb8;
	[tilespmem:$0x8A00] =	vst v63  }
0x2b: {  	_ = 	snop  }
0x2c: {  	[tilespmem:s8], [sflag:$0x2] =	stream.indirect.gather [hbm4b:s11+s2], $0x40, s2, s2, $0xb8;
	[tilespmem:$0x8A00] =	vst v63  }
0x2d: {  	s0 =	rddreg [dreg:$0x17]  }
0x2e: {  	[tilespmem:s5], [sflag:$0x3] =	stream.indirect.gather [hbm4b:s11+s2], $0x40, s0, s2, $0xb8;
	[tilespmem:$0x8A00] =	vst v63  }
0x2f: {  	s17 =	smov.u32 s1;
	s1 =	rddreg [dreg:$0x18]  }
0x30: {  	[tilespmem:s3], [sflag:$0x4] =	stream.indirect.gather [hbm4b:s11+s2], $0x40, s1, s2, $0xb8;
	[tilespmem:$0x8A00] =	vst v63  }
0x31: {  	_ =	swait.ge [sflag:s13], $0x2000  }
0x32: {  	[sflag:s13] =	ssyncset.done $0x0  }
0x33: {  	[sflag:s13] =	ssyncadd.s32 $0xFFFFE000  }
0x34: {  	[hbm4b:s25+s6] =	stream.strided.scatter [tilespmem:s12], [sflag:$0x5], $0x2000, s2, s6, $0x38;
	[tilespmem:$0x8A00] =	vst v63  }
0x35: {  	_ =	swait.ge [sflag:s4], $0x2000  }
0x36: {  	[sflag:s4] =	ssyncset.done $0x0  }
0x37: {  	s1 =	rddreg [dreg:$0x19];
	[sflag:s4] =	ssyncadd.s32 $0xFFFFE000  }
0x38: {  	[tilespmem:s12], [sflag:$0x1] =	stream.indirect.gather [hbm4b:s11+s2], $0x40, s1, s2, $0xb8;
	[tilespmem:$0x8A00] =	vst v63  }
0x39: {  	_ =	swait.ge [sflag:s14], $0x2000  }
0x3a: {  	[sflag:s14] =	ssyncset.done $0x0  }
0x3b: {  	s1 =	rddreg [dreg:$0x4];
	[sflag:s14] =	ssyncadd.s32 $0xFFFFE000  }
0x3c: {  	[hbm4b:s1+s6] =	stream.strided.scatter [tilespmem:s8], [sflag:$0x6], $0x2000, s2, s6, $0x38;
	[tilespmem:$0x8A00] =	vst v63  }
0x3d: {  	_ =	swait.ge [sflag:s7], $0x2000  }
0x3e: {  	[sflag:s7] =	ssyncset.done $0x0  }
0x3f: {  	s1 =	rddreg [dreg:$0x1a];
	[sflag:s7] =	ssyncadd.s32 $0xFFFFE000  }
0x40: {  	[tilespmem:s8], [sflag:$0x2] =	stream.indirect.gather [hbm4b:s11+s2], $0x40, s1, s2, $0xb8;
	[tilespmem:$0x8A00] =	vst v63  }
0x41: {  	_ =	swait.ge [sflag:s15], $0x2000  }
0x42: {  	[sflag:s15] =	ssyncset.done $0x0  }
0x43: {  	s1 =	rddreg [dreg:$0x5];
	[sflag:s15] =	ssyncadd.s32 $0xFFFFE000  }
0x44: {  	[hbm4b:s1+s6] =	stream.strided.scatter [tilespmem:s5], [sflag:$0x7], $0x2000, s2, s6, $0x38;
	[tilespmem:$0x8A00] =	vst v63  }
0x45: {  	_ =	swait.ge [sflag:s9], $0x2000  }
0x46: {  	[sflag:s9] =	ssyncset.done $0x0  }
0x47: {  	s1 =	rddreg [dreg:$0x1b];
	[sflag:s9] =	ssyncadd.s32 $0xFFFFE000  }
0x48: {  	[tilespmem:s5], [sflag:$0x3] =	stream.indirect.gather [hbm4b:s11+s2], $0x40, s1, s2, $0xb8;
	[tilespmem:$0x8A00] =	vst v63  }
0x49: {  	_ =	swait.ge [sflag:s16], $0x2000  }
0x4a: {  	[sflag:s16] =	ssyncset.done $0x0  }
0x4b: {  	s1 =	rddreg [dreg:$0x6];
	[sflag:s16] =	ssyncadd.s32 $0xFFFFE000  }
0x4c: {  	[hbm4b:s1+s6] =	stream.strided.scatter [tilespmem:s3], [sflag:$0x8], $0x2000, s2, s6, $0x38;
	[tilespmem:$0x8A00] =	vst v63  }
0x4d: {  	_ =	swait.ge [sflag:s10], $0x2000  }
0x4e: {  	[sflag:s10] =	ssyncset.done $0x0  }
0x4f: {  	s1 =	rddreg [dreg:$0x1c];
	[sflag:s10] =	ssyncadd.s32 $0xFFFFE000  }
0x50: {  	[tilespmem:s3], [sflag:$0x4] =	stream.indirect.gather [hbm4b:s11+s2], $0x40, s1, s2, $0xb8;
	[tilespmem:$0x8A00] =	vst v63  }
0x51: {  	_ =	swait.ge [sflag:s13], $0x2000  }
0x52: {  	[sflag:s13] =	ssyncset.done $0x0  }
0x53: {  	s1 =	rddreg [dreg:$0x7];
	[sflag:s13] =	ssyncadd.s32 $0xFFFFE000  }
0x54: {  	[hbm4b:s1+s6] =	stream.strided.scatter [tilespmem:s12], [sflag:$0x5], $0x2000, s2, s6, $0x38;
	[tilespmem:$0x8A00] =	vst v63  }
0x55: {  	_ =	swait.ge [sflag:s4], $0x2000  }
0x56: {  	[sflag:s4] =	ssyncset.done $0x0  }
0x57: {  	s1 =	rddreg [dreg:$0x1d];
	[sflag:s4] =	ssyncadd.s32 $0xFFFFE000  }
0x58: {  	[tilespmem:s12], [sflag:$0x1] =	stream.indirect.gather [hbm4b:s11+s2], $0x40, s1, s2, $0xb8;
	[tilespmem:$0x8A00] =	vst v63  }
0x59: {  	_ =	swait.ge [sflag:s14], $0x2000  }
0x5a: {  	[sflag:s14] =	ssyncset.done $0x0  }
0x5b: {  	s1 =	rddreg [dreg:$0x8];
	[sflag:s14] =	ssyncadd.s32 $0xFFFFE000  }
0x5c: {  	[hbm4b:s1+s6] =	stream.strided.scatter [tilespmem:s8], [sflag:$0x6], $0x2000, s2, s6, $0x38;
	[tilespmem:$0x8A00] =	vst v63  }
0x5d: {  	_ =	swait.ge [sflag:s7], $0x2000  }
0x5e: {  	[sflag:s7] =	ssyncset.done $0x0  }
0x5f: {  	s1 =	simm.s32 $0x480;
	[sflag:s7] =	ssyncadd.s32 $0xFFFFE000  }
0x60: {  	[tilespmem:s8], [sflag:$0x2] =	stream.indirect.gather [hbm4b:s11+s2], $0x40, s1, s2, $0xb8;
	[tilespmem:$0x8A00] =	vst v63  }
0x61: {  	_ =	swait.ge [sflag:s15], $0x2000  }
0x62: {  	[sflag:s15] =	ssyncset.done $0x0  }
0x63: {  	s1 =	rddreg [dreg:$0x9];
	[sflag:s15] =	ssyncadd.s32 $0xFFFFE000  }
0x64: {  	[hbm4b:s1+s6] =	stream.strided.scatter [tilespmem:s5], [sflag:$0x7], $0x2000, s2, s6, $0x38;
	[tilespmem:$0x8A00] =	vst v63  }
0x65: {  	_ =	swait.ge [sflag:s9], $0x2000  }
0x66: {  	[sflag:s9] =	ssyncset.done $0x0  }
0x67: {  	[sflag:s9] =	ssyncadd.s32 $0xFFFFE000  }
0x68: {  	[tilespmem:s5], [sflag:$0x3] =	stream.indirect.gather [hbm4b:s11+s2], $0x40, s30, s2, $0xb8;
	[tilespmem:$0x8A00] =	vst v63  }
0x69: {  	_ =	swait.ge [sflag:s16], $0x2000  }
0x6a: {  	[sflag:s16] =	ssyncset.done $0x0  }
0x6b: {  	s1 =	rddreg [dreg:$0xa];
	[sflag:s16] =	ssyncadd.s32 $0xFFFFE000  }
0x6c: {  	[hbm4b:s1+s6] =	stream.strided.scatter [tilespmem:s3], [sflag:$0x8], $0x2000, s2, s6, $0x38;
	[tilespmem:$0x8A00] =	vst v63  }
0x6d: {  	_ =	swait.ge [sflag:s10], $0x2000  }
0x6e: {  	[sflag:s10] =	ssyncset.done $0x0  }
0x6f: {  	[sflag:s10] =	ssyncadd.s32 $0xFFFFE000  }
0x70: {  	[tilespmem:s3], [sflag:$0x4] =	stream.indirect.gather [hbm4b:s11+s2], $0x40, s29, s2, $0xb8;
	[tilespmem:$0x8A00] =	vst v63  }
0x71: {  	_ =	swait.ge [sflag:s13], $0x2000  }
0x72: {  	[sflag:s13] =	ssyncset.done $0x0  }
0x73: {  	s1 =	rddreg [dreg:$0xb];
	[sflag:s13] =	ssyncadd.s32 $0xFFFFE000  }
0x74: {  	[hbm4b:s1+s6] =	stream.strided.scatter [tilespmem:s12], [sflag:$0x5], $0x2000, s2, s6, $0x38;
	[tilespmem:$0x8A00] =	vst v63  }
0x75: {  	_ =	swait.ge [sflag:s4], $0x2000  }
0x76: {  	[sflag:s4] =	ssyncset.done $0x0  }
0x77: {  	[sflag:s4] =	ssyncadd.s32 $0xFFFFE000  }
0x78: {  	[tilespmem:s12], [sflag:$0x1] =	stream.indirect.gather [hbm4b:s11+s2], $0x40, s28, s2, $0xb8;
	[tilespmem:$0x8A00] =	vst v63  }
0x79: {  	_ =	swait.ge [sflag:s14], $0x2000  }
0x7a: {  	[sflag:s14] =	ssyncset.done $0x0  }
0x7b: {  	s1 =	rddreg [dreg:$0xc];
	[sflag:s14] =	ssyncadd.s32 $0xFFFFE000  }
0x7c: {  	[hbm4b:s1+s6] =	stream.strided.scatter [tilespmem:s8], [sflag:$0x6], $0x2000, s2, s6, $0x38;
	[tilespmem:$0x8A00] =	vst v63  }
0x7d: {  	_ =	swait.ge [sflag:s7], $0x2000  }
0x7e: {  	[sflag:s7] =	ssyncset.done $0x0  }
0x7f: {  	[sflag:s7] =	ssyncadd.s32 $0xFFFFE000  }
0x80: {  	[tilespmem:s8], [sflag:$0x2] =	stream.indirect.gather [hbm4b:s11+s2], $0x40, s24, s2, $0xb8;
	[tilespmem:$0x8A00] =	vst v63  }
0x81: {  	_ =	swait.ge [sflag:s15], $0x2000  }
0x82: {  	[sflag:s15] =	ssyncset.done $0x0  }
0x83: {  	s1 =	rddreg [dreg:$0xd];
	[sflag:s15] =	ssyncadd.s32 $0xFFFFE000  }
0x84: {  	[hbm4b:s1+s6] =	stream.strided.scatter [tilespmem:s5], [sflag:$0x7], $0x2000, s2, s6, $0x38;
	[tilespmem:$0x8A00] =	vst v63  }
0x85: {  	_ =	swait.ge [sflag:s9], $0x2000  }
0x86: {  	[sflag:s9] =	ssyncset.done $0x0  }
0x87: {  	[sflag:s9] =	ssyncadd.s32 $0xFFFFE000  }
0x88: {  	[tilespmem:s5], [sflag:$0x3] =	stream.indirect.gather [hbm4b:s11+s2], $0x40, s23, s2, $0xb8;
	[tilespmem:$0x8A00] =	vst v63  }
0x89: {  	_ =	swait.ge [sflag:s16], $0x2000  }
0x8a: {  	[sflag:s16] =	ssyncset.done $0x0  }
0x8b: {  	s1 =	rddreg [dreg:$0xe];
	[sflag:s16] =	ssyncadd.s32 $0xFFFFE000  }
0x8c: {  	[hbm4b:s1+s6] =	stream.strided.scatter [tilespmem:s3], [sflag:$0x8], $0x2000, s2, s6, $0x38;
	[tilespmem:$0x8A00] =	vst v63  }
0x8d: {  	_ =	swait.ge [sflag:s10], $0x2000  }
0x8e: {  	[sflag:s10] =	ssyncset.done $0x0  }
0x8f: {  	[sflag:s10] =	ssyncadd.s32 $0xFFFFE000  }
0x90: {  	[tilespmem:s3], [sflag:$0x4] =	stream.indirect.gather [hbm4b:s11+s2], $0x40, s22, s2, $0xb8;
	[tilespmem:$0x8A00] =	vst v63  }
0x91: {  	_ =	swait.ge [sflag:s13], $0x2000  }
0x92: {  	[sflag:s13] =	ssyncset.done $0x0  }
0x93: {  	s1 =	rddreg [dreg:$0xf];
	[sflag:s13] =	ssyncadd.s32 $0xFFFFE000  }
0x94: {  	[hbm4b:s1+s6] =	stream.strided.scatter [tilespmem:s12], [sflag:$0x5], $0x2000, s2, s6, $0x38;
	[tilespmem:$0x8A00] =	vst v63  }
0x95: {  	_ =	swait.ge [sflag:s4], $0x2000  }
0x96: {  	[sflag:s4] =	ssyncset.done $0x0  }
0x97: {  	[sflag:s4] =	ssyncadd.s32 $0xFFFFE000  }
0x98: {  	[tilespmem:s12], [sflag:$0x1] =	stream.indirect.gather [hbm4b:s11+s2], $0x40, s21, s2, $0xb8;
	[tilespmem:$0x8A00] =	vst v63  }
0x99: {  	_ =	swait.ge [sflag:s14], $0x2000  }
0x9a: {  	[sflag:s14] =	ssyncset.done $0x0  }
0x9b: {  	s1 =	rddreg [dreg:$0x10];
	[sflag:s14] =	ssyncadd.s32 $0xFFFFE000  }
0x9c: {  	[hbm4b:s1+s6] =	stream.strided.scatter [tilespmem:s8], [sflag:$0x6], $0x2000, s2, s6, $0x38;
	[tilespmem:$0x8A00] =	vst v63  }
0x9d: {  	_ =	swait.ge [sflag:s7], $0x2000  }
0x9e: {  	[sflag:s7] =	ssyncset.done $0x0  }
0x9f: {  	[sflag:s7] =	ssyncadd.s32 $0xFFFFE000  }
0xa0: {  	[tilespmem:s8], [sflag:$0x2] =	stream.indirect.gather [hbm4b:s11+s2], $0x40, s20, s2, $0xb8;
	[tilespmem:$0x8A00] =	vst v63  }
0xa1: {  	_ =	swait.ge [sflag:s15], $0x2000  }
0xa2: {  	[sflag:s15] =	ssyncset.done $0x0  }
0xa3: {  	s1 =	rddreg [dreg:$0x11];
	[sflag:s15] =	ssyncadd.s32 $0xFFFFE000  }
0xa4: {  	[hbm4b:s1+s6] =	stream.strided.scatter [tilespmem:s5], [sflag:$0x7], $0x2000, s2, s6, $0x38;
	[tilespmem:$0x8A00] =	vst v63  }
0xa5: {  	_ =	swait.ge [sflag:s9], $0x2000  }
0xa6: {  	[sflag:s9] =	ssyncset.done $0x0  }
0xa7: {  	[sflag:s9] =	ssyncadd.s32 $0xFFFFE000  }
0xa8: {  	[tilespmem:s5], [sflag:$0x3] =	stream.indirect.gather [hbm4b:s11+s2], $0x40, s19, s2, $0xb8;
	[tilespmem:$0x8A00] =	vst v63  }
0xa9: {  	_ =	swait.ge [sflag:s16], $0x2000  }
0xaa: {  	[sflag:s16] =	ssyncset.done $0x0  }
0xab: {  	s1 =	rddreg [dreg:$0x12];
	[sflag:s16] =	ssyncadd.s32 $0xFFFFE000  }
0xac: {  	[hbm4b:s1+s6] =	stream.strided.scatter [tilespmem:s3], [sflag:$0x8], $0x2000, s2, s6, $0x38;
	[tilespmem:$0x8A00] =	vst v63  }
0xad: {  	_ =	swait.ge [sflag:s10], $0x2000  }
0xae: {  	[sflag:s10] =	ssyncset.done $0x0  }
0xaf: {  	[sflag:s10] =	ssyncadd.s32 $0xFFFFE000  }
0xb0: {  	[tilespmem:s3], [sflag:$0x4] =	stream.indirect.gather [hbm4b:s11+s2], $0x40, s18, s2, $0xb8;
	[tilespmem:$0x8A00] =	vst v63  }
0xb1: {  	_ =	swait.ge [sflag:s13], $0x2000  }
0xb2: {  	[sflag:s13] =	ssyncset.done $0x0  }
0xb3: {  	s1 =	rddreg [dreg:$0x13];
	[sflag:s13] =	ssyncadd.s32 $0xFFFFE000  }
0xb4: {  	[hbm4b:s1+s6] =	stream.strided.scatter [tilespmem:s12], [sflag:$0x5], $0x2000, s2, s6, $0x38;
	[tilespmem:$0x8A00] =	vst v63  }
0xb5: {  	_ =	swait.ge [sflag:s14], $0x2000  }
0xb6: {  	[sflag:s14] =	ssyncset.done $0x0  }
0xb7: {  	s1 =	rddreg [dreg:$0x14];
	[sflag:s14] =	ssyncadd.s32 $0xFFFFE000  }
0xb8: {  	[hbm4b:s1+s6] =	stream.strided.scatter [tilespmem:s8], [sflag:$0x6], $0x2000, s2, s6, $0x38;
	[tilespmem:$0x8A00] =	vst v63  }
0xb9: {  	_ =	swait.ge [sflag:s15], $0x2000  }
0xba: {  	[sflag:s15] =	ssyncset.done $0x0  }
0xbb: {  	s1 =	rddreg [dreg:$0x15];
	[sflag:s15] =	ssyncadd.s32 $0xFFFFE000  }
0xbc: {  	[hbm4b:s1+s6] =	stream.strided.scatter [tilespmem:s5], [sflag:$0x7], $0x2000, s2, s6, $0x38;
	[tilespmem:$0x8A00] =	vst v63  }
0xbd: {  	_ =	swait.ge [sflag:s16], $0x2000  }
0xbe: {  	[sflag:s16] =	ssyncset.done $0x0  }
0xbf: {  	s1 =	rddreg [dreg:$0x16];
	[sflag:s16] =	ssyncadd.s32 $0xFFFFE000  }
0xc0: {  	[hbm4b:s1+s6] =	stream.strided.scatter [tilespmem:s3], [sflag:$0x8], $0x2000, s2, s6, $0x38;
	[tilespmem:$0x8A00] =	vst v63  }
0xc1: {  	_ =	swait.ge [sflag:s4], $0x2000  }
0xc2: {  	[sflag:s4] =	ssyncset.done $0x0  }
0xc3: {  	[sflag:s4] =	ssyncadd.s32 $0xFFFFE000  }
0xc4: {  	_ =	swait.ge [sflag:s7], $0x2000  }
0xc5: {  	[sflag:s7] =	ssyncset.done $0x0  }
0xc6: {  	p1 =	sne.s32 s17, $0x1;
	[sflag:s7] =	ssyncadd.s32 $0xFFFFE000  }
.Ltmp1:
0xc7: {  	_ =	swait.ge [sflag:s9], $0x2000;
	(pc) =	sbr.rel @!p1 .LBB2_3-.Ltmp1, $4  }
0xc8: {  	[sflag:s9] =	ssyncset.done $0x0  }
0xc9: {  	[sflag:s9] =	ssyncadd.s32 $0xFFFFE000  }
0xca: {  	p0 =	por $0x1, $0x1;
	_ =	swait.ge [sflag:s10], $0x2000  }
0xcb: {  	s1 =	sadd.s32 $0xFFFFFFFF, s17;
	s0 =	rddreg [dreg:$0x3];
	[sflag:s10] =	ssyncset.done $0x0  }
.LBB2_4:
0xcc: {  	[sflag:s10] =	ssyncadd.s32 $0xFFFFE000  }
0xcd: {  	[tilespmem:s26], [sflag:$0x9] =	stream.linear.gather [hbm4b:s0+s26], $0xA00, $0x38;
	[tilespmem:$0x8A00] =	vst v63  }
0xce: {  	_ =	swait.ge [sflag:s31], $0xA00  }
0xcf: {  	[sflag:s31] =	ssyncset.done $0x0  }
0xd0: {  	[sflag:s31] =	ssyncadd.s32 $0xFFFFF600  }
0xd1: {  	[tilespmem:s12], [sflag:$0x1] =	stream.indirect.gather [hbm4b:s11+s2], $0x40, s26, s2, $0xb8;
	[tilespmem:$0x8A00] =	vst v63  }
0xd2: {  	_ = 	snop  }
0xd3: {  	[tilespmem:s8], [sflag:$0x2] =	stream.indirect.gather [hbm4b:s11+s2], $0x40, s2, s2, $0xb8;
	[tilespmem:$0x8A00] =	vst v63  }
0xd4: {  	s0 =	rddreg [dreg:$0x17]  }
0xd5: {  	[tilespmem:s5], [sflag:$0x3] =	stream.indirect.gather [hbm4b:s11+s2], $0x40, s0, s2, $0xb8;
	[tilespmem:$0x8A00] =	vst v63  }
0xd6: {  	s17 =	rddreg [dreg:$0x18]  }
0xd7: {  	[tilespmem:s3], [sflag:$0x4] =	stream.indirect.gather [hbm4b:s11+s2], $0x40, s17, s2, $0xb8;
	[tilespmem:$0x8A00] =	vst v63  }
0xd8: {  	_ =	swait.ge [sflag:s13], $0x2000  }
0xd9: {  	[sflag:s13] =	ssyncset.done $0x0  }
0xda: {  	[sflag:s13] =	ssyncadd.s32 $0xFFFFE000  }
0xdb: {  	[hbm4b:s25+s6] =	stream.strided.scatter [tilespmem:s12], [sflag:$0x5], $0x2000, s2, s6, $0x38;
	[tilespmem:$0x8A00] =	vst v63  }
0xdc: {  	_ =	swait.ge [sflag:s4], $0x2000  }
0xdd: {  	[sflag:s4] =	ssyncset.done $0x0  }
0xde: {  	s17 =	rddreg [dreg:$0x19];
	[sflag:s4] =	ssyncadd.s32 $0xFFFFE000  }
0xdf: {  	[tilespmem:s12], [sflag:$0x1] =	stream.indirect.gather [hbm4b:s11+s2], $0x40, s17, s2, $0xb8;
	[tilespmem:$0x8A00] =	vst v63  }
0xe0: {  	_ =	swait.ge [sflag:s14], $0x2000  }
0xe1: {  	[sflag:s14] =	ssyncset.done $0x0  }
0xe2: {  	s17 =	rddreg [dreg:$0x4];
	[sflag:s14] =	ssyncadd.s32 $0xFFFFE000  }
0xe3: {  	[hbm4b:s17+s6] =	stream.strided.scatter [tilespmem:s8], [sflag:$0x6], $0x2000, s2, s6, $0x38;
	[tilespmem:$0x8A00] =	vst v63  }
0xe4: {  	_ =	swait.ge [sflag:s7], $0x2000  }
0xe5: {  	[sflag:s7] =	ssyncset.done $0x0  }
0xe6: {  	s17 =	rddreg [dreg:$0x1a];
	[sflag:s7] =	ssyncadd.s32 $0xFFFFE000  }
0xe7: {  	[tilespmem:s8], [sflag:$0x2] =	stream.indirect.gather [hbm4b:s11+s2], $0x40, s17, s2, $0xb8;
	[tilespmem:$0x8A00] =	vst v63  }
0xe8: {  	_ =	swait.ge [sflag:s15], $0x2000  }
0xe9: {  	[sflag:s15] =	ssyncset.done $0x0  }
0xea: {  	s17 =	rddreg [dreg:$0x5];
	[sflag:s15] =	ssyncadd.s32 $0xFFFFE000  }
0xeb: {  	[hbm4b:s17+s6] =	stream.strided.scatter [tilespmem:s5], [sflag:$0x7], $0x2000, s2, s6, $0x38;
	[tilespmem:$0x8A00] =	vst v63  }
0xec: {  	_ =	swait.ge [sflag:s9], $0x2000  }
0xed: {  	[sflag:s9] =	ssyncset.done $0x0  }
0xee: {  	s17 =	rddreg [dreg:$0x1b];
	[sflag:s9] =	ssyncadd.s32 $0xFFFFE000  }
0xef: {  	[tilespmem:s5], [sflag:$0x3] =	stream.indirect.gather [hbm4b:s11+s2], $0x40, s17, s2, $0xb8;
	[tilespmem:$0x8A00] =	vst v63  }
0xf0: {  	_ =	swait.ge [sflag:s16], $0x2000  }
0xf1: {  	[sflag:s16] =	ssyncset.done $0x0  }
0xf2: {  	s17 =	rddreg [dreg:$0x6];
	[sflag:s16] =	ssyncadd.s32 $0xFFFFE000  }
0xf3: {  	[hbm4b:s17+s6] =	stream.strided.scatter [tilespmem:s3], [sflag:$0x8], $0x2000, s2, s6, $0x38;
	[tilespmem:$0x8A00] =	vst v63  }
0xf4: {  	_ =	swait.ge [sflag:s10], $0x2000  }
0xf5: {  	[sflag:s10] =	ssyncset.done $0x0  }
0xf6: {  	s17 =	rddreg [dreg:$0x1c];
	[sflag:s10] =	ssyncadd.s32 $0xFFFFE000  }
0xf7: {  	[tilespmem:s3], [sflag:$0x4] =	stream.indirect.gather [hbm4b:s11+s2], $0x40, s17, s2, $0xb8;
	[tilespmem:$0x8A00] =	vst v63  }
0xf8: {  	_ =	swait.ge [sflag:s13], $0x2000  }
0xf9: {  	[sflag:s13] =	ssyncset.done $0x0  }
0xfa: {  	s17 =	rddreg [dreg:$0x7];
	[sflag:s13] =	ssyncadd.s32 $0xFFFFE000  }
0xfb: {  	[hbm4b:s17+s6] =	stream.strided.scatter [tilespmem:s12], [sflag:$0x5], $0x2000, s2, s6, $0x38;
	[tilespmem:$0x8A00] =	vst v63  }
0xfc: {  	_ =	swait.ge [sflag:s4], $0x2000  }
0xfd: {  	[sflag:s4] =	ssyncset.done $0x0  }
0xfe: {  	s17 =	rddreg [dreg:$0x1d];
	[sflag:s4] =	ssyncadd.s32 $0xFFFFE000  }
0xff: {  	[tilespmem:s12], [sflag:$0x1] =	stream.indirect.gather [hbm4b:s11+s2], $0x40, s17, s2, $0xb8;
	[tilespmem:$0x8A00] =	vst v63  }
0x100: {  	_ =	swait.ge [sflag:s14], $0x2000  }
0x101: {  	[sflag:s14] =	ssyncset.done $0x0  }
0x102: {  	s17 =	rddreg [dreg:$0x8];
	[sflag:s14] =	ssyncadd.s32 $0xFFFFE000  }
0x103: {  	[hbm4b:s17+s6] =	stream.strided.scatter [tilespmem:s8], [sflag:$0x6], $0x2000, s2, s6, $0x38;
	[tilespmem:$0x8A00] =	vst v63  }
0x104: {  	_ =	swait.ge [sflag:s7], $0x2000  }
0x105: {  	[sflag:s7] =	ssyncset.done $0x0  }
0x106: {  	s17 =	simm.s32 $0x480;
	[sflag:s7] =	ssyncadd.s32 $0xFFFFE000  }
0x107: {  	[tilespmem:s8], [sflag:$0x2] =	stream.indirect.gather [hbm4b:s11+s2], $0x40, s17, s2, $0xb8;
	[tilespmem:$0x8A00] =	vst v63  }
0x108: {  	_ =	swait.ge [sflag:s15], $0x2000  }
0x109: {  	[sflag:s15] =	ssyncset.done $0x0  }
0x10a: {  	s17 =	rddreg [dreg:$0x9];
	[sflag:s15] =	ssyncadd.s32 $0xFFFFE000  }
0x10b: {  	[hbm4b:s17+s6] =	stream.strided.scatter [tilespmem:s5], [sflag:$0x7], $0x2000, s2, s6, $0x38;
	[tilespmem:$0x8A00] =	vst v63  }
0x10c: {  	_ =	swait.ge [sflag:s9], $0x2000  }
0x10d: {  	[sflag:s9] =	ssyncset.done $0x0  }
0x10e: {  	[sflag:s9] =	ssyncadd.s32 $0xFFFFE000  }
0x10f: {  	[tilespmem:s5], [sflag:$0x3] =	stream.indirect.gather [hbm4b:s11+s2], $0x40, s30, s2, $0xb8;
	[tilespmem:$0x8A00] =	vst v63  }
0x110: {  	_ =	swait.ge [sflag:s16], $0x2000  }
0x111: {  	[sflag:s16] =	ssyncset.done $0x0  }
0x112: {  	s17 =	rddreg [dreg:$0xa];
	[sflag:s16] =	ssyncadd.s32 $0xFFFFE000  }
0x113: {  	[hbm4b:s17+s6] =	stream.strided.scatter [tilespmem:s3], [sflag:$0x8], $0x2000, s2, s6, $0x38;
	[tilespmem:$0x8A00] =	vst v63  }
0x114: {  	_ =	swait.ge [sflag:s10], $0x2000  }
0x115: {  	[sflag:s10] =	ssyncset.done $0x0  }
0x116: {  	[sflag:s10] =	ssyncadd.s32 $0xFFFFE000  }
0x117: {  	[tilespmem:s3], [sflag:$0x4] =	stream.indirect.gather [hbm4b:s11+s2], $0x40, s29, s2, $0xb8;
	[tilespmem:$0x8A00] =	vst v63  }
0x118: {  	_ =	swait.ge [sflag:s13], $0x2000  }
0x119: {  	[sflag:s13] =	ssyncset.done $0x0  }
0x11a: {  	s17 =	rddreg [dreg:$0xb];
	[sflag:s13] =	ssyncadd.s32 $0xFFFFE000  }
0x11b: {  	[hbm4b:s17+s6] =	stream.strided.scatter [tilespmem:s12], [sflag:$0x5], $0x2000, s2, s6, $0x38;
	[tilespmem:$0x8A00] =	vst v63  }
0x11c: {  	_ =	swait.ge [sflag:s4], $0x2000  }
0x11d: {  	[sflag:s4] =	ssyncset.done $0x0  }
0x11e: {  	[sflag:s4] =	ssyncadd.s32 $0xFFFFE000  }
0x11f: {  	[tilespmem:s12], [sflag:$0x1] =	stream.indirect.gather [hbm4b:s11+s2], $0x40, s28, s2, $0xb8;
	[tilespmem:$0x8A00] =	vst v63  }
0x120: {  	_ =	swait.ge [sflag:s14], $0x2000  }
0x121: {  	[sflag:s14] =	ssyncset.done $0x0  }
0x122: {  	s17 =	rddreg [dreg:$0xc];
	[sflag:s14] =	ssyncadd.s32 $0xFFFFE000  }
0x123: {  	[hbm4b:s17+s6] =	stream.strided.scatter [tilespmem:s8], [sflag:$0x6], $0x2000, s2, s6, $0x38;
	[tilespmem:$0x8A00] =	vst v63  }
0x124: {  	_ =	swait.ge [sflag:s7], $0x2000  }
0x125: {  	[sflag:s7] =	ssyncset.done $0x0  }
0x126: {  	[sflag:s7] =	ssyncadd.s32 $0xFFFFE000  }
0x127: {  	[tilespmem:s8], [sflag:$0x2] =	stream.indirect.gather [hbm4b:s11+s2], $0x40, s24, s2, $0xb8;
	[tilespmem:$0x8A00] =	vst v63  }
0x128: {  	_ =	swait.ge [sflag:s15], $0x2000  }
0x129: {  	[sflag:s15] =	ssyncset.done $0x0  }
0x12a: {  	s17 =	rddreg [dreg:$0xd];
	[sflag:s15] =	ssyncadd.s32 $0xFFFFE000  }
0x12b: {  	[hbm4b:s17+s6] =	stream.strided.scatter [tilespmem:s5], [sflag:$0x7], $0x2000, s2, s6, $0x38;
	[tilespmem:$0x8A00] =	vst v63  }
0x12c: {  	_ =	swait.ge [sflag:s9], $0x2000  }
0x12d: {  	[sflag:s9] =	ssyncset.done $0x0  }
0x12e: {  	[sflag:s9] =	ssyncadd.s32 $0xFFFFE000  }
0x12f: {  	[tilespmem:s5], [sflag:$0x3] =	stream.indirect.gather [hbm4b:s11+s2], $0x40, s23, s2, $0xb8;
	[tilespmem:$0x8A00] =	vst v63  }
0x130: {  	_ =	swait.ge [sflag:s16], $0x2000  }
0x131: {  	[sflag:s16] =	ssyncset.done $0x0  }
0x132: {  	s17 =	rddreg [dreg:$0xe];
	[sflag:s16] =	ssyncadd.s32 $0xFFFFE000  }
0x133: {  	[hbm4b:s17+s6] =	stream.strided.scatter [tilespmem:s3], [sflag:$0x8], $0x2000, s2, s6, $0x38;
	[tilespmem:$0x8A00] =	vst v63  }
0x134: {  	_ =	swait.ge [sflag:s10], $0x2000  }
0x135: {  	[sflag:s10] =	ssyncset.done $0x0  }
0x136: {  	[sflag:s10] =	ssyncadd.s32 $0xFFFFE000  }
0x137: {  	[tilespmem:s3], [sflag:$0x4] =	stream.indirect.gather [hbm4b:s11+s2], $0x40, s22, s2, $0xb8;
	[tilespmem:$0x8A00] =	vst v63  }
0x138: {  	_ =	swait.ge [sflag:s13], $0x2000  }
0x139: {  	[sflag:s13] =	ssyncset.done $0x0  }
0x13a: {  	s17 =	rddreg [dreg:$0xf];
	[sflag:s13] =	ssyncadd.s32 $0xFFFFE000  }
0x13b: {  	[hbm4b:s17+s6] =	stream.strided.scatter [tilespmem:s12], [sflag:$0x5], $0x2000, s2, s6, $0x38;
	[tilespmem:$0x8A00] =	vst v63  }
0x13c: {  	_ =	swait.ge [sflag:s4], $0x2000  }
0x13d: {  	[sflag:s4] =	ssyncset.done $0x0  }
0x13e: {  	[sflag:s4] =	ssyncadd.s32 $0xFFFFE000  }
0x13f: {  	[tilespmem:s12], [sflag:$0x1] =	stream.indirect.gather [hbm4b:s11+s2], $0x40, s21, s2, $0xb8;
	[tilespmem:$0x8A00] =	vst v63  }
0x140: {  	_ =	swait.ge [sflag:s14], $0x2000  }
0x141: {  	[sflag:s14] =	ssyncset.done $0x0  }
0x142: {  	s17 =	rddreg [dreg:$0x10];
	[sflag:s14] =	ssyncadd.s32 $0xFFFFE000  }
0x143: {  	[hbm4b:s17+s6] =	stream.strided.scatter [tilespmem:s8], [sflag:$0x6], $0x2000, s2, s6, $0x38;
	[tilespmem:$0x8A00] =	vst v63  }
0x144: {  	_ =	swait.ge [sflag:s7], $0x2000  }
0x145: {  	[sflag:s7] =	ssyncset.done $0x0  }
0x146: {  	[sflag:s7] =	ssyncadd.s32 $0xFFFFE000  }
0x147: {  	[tilespmem:s8], [sflag:$0x2] =	stream.indirect.gather [hbm4b:s11+s2], $0x40, s20, s2, $0xb8;
	[tilespmem:$0x8A00] =	vst v63  }
0x148: {  	_ =	swait.ge [sflag:s15], $0x2000  }
0x149: {  	[sflag:s15] =	ssyncset.done $0x0  }
0x14a: {  	s17 =	rddreg [dreg:$0x11];
	[sflag:s15] =	ssyncadd.s32 $0xFFFFE000  }
0x14b: {  	[hbm4b:s17+s6] =	stream.strided.scatter [tilespmem:s5], [sflag:$0x7], $0x2000, s2, s6, $0x38;
	[tilespmem:$0x8A00] =	vst v63  }
0x14c: {  	_ =	swait.ge [sflag:s9], $0x2000  }
0x14d: {  	[sflag:s9] =	ssyncset.done $0x0  }
0x14e: {  	[sflag:s9] =	ssyncadd.s32 $0xFFFFE000  }
0x14f: {  	[tilespmem:s5], [sflag:$0x3] =	stream.indirect.gather [hbm4b:s11+s2], $0x40, s19, s2, $0xb8;
	[tilespmem:$0x8A00] =	vst v63  }
0x150: {  	_ =	swait.ge [sflag:s16], $0x2000  }
0x151: {  	[sflag:s16] =	ssyncset.done $0x0  }
0x152: {  	s17 =	rddreg [dreg:$0x12];
	[sflag:s16] =	ssyncadd.s32 $0xFFFFE000  }
0x153: {  	[hbm4b:s17+s6] =	stream.strided.scatter [tilespmem:s3], [sflag:$0x8], $0x2000, s2, s6, $0x38;
	[tilespmem:$0x8A00] =	vst v63  }
0x154: {  	_ =	swait.ge [sflag:s10], $0x2000  }
0x155: {  	[sflag:s10] =	ssyncset.done $0x0  }
0x156: {  	[sflag:s10] =	ssyncadd.s32 $0xFFFFE000  }
0x157: {  	[tilespmem:s3], [sflag:$0x4] =	stream.indirect.gather [hbm4b:s11+s2], $0x40, s18, s2, $0xb8;
	[tilespmem:$0x8A00] =	vst v63  }
0x158: {  	_ =	swait.ge [sflag:s13], $0x2000  }
0x159: {  	[sflag:s13] =	ssyncset.done $0x0  }
0x15a: {  	s17 =	rddreg [dreg:$0x13];
	[sflag:s13] =	ssyncadd.s32 $0xFFFFE000  }
0x15b: {  	[hbm4b:s17+s6] =	stream.strided.scatter [tilespmem:s12], [sflag:$0x5], $0x2000, s2, s6, $0x38;
	[tilespmem:$0x8A00] =	vst v63  }
0x15c: {  	_ =	swait.ge [sflag:s14], $0x2000  }
0x15d: {  	[sflag:s14] =	ssyncset.done $0x0  }
0x15e: {  	s17 =	rddreg [dreg:$0x14];
	[sflag:s14] =	ssyncadd.s32 $0xFFFFE000  }
0x15f: {  	[hbm4b:s17+s6] =	stream.strided.scatter [tilespmem:s8], [sflag:$0x6], $0x2000, s2, s6, $0x38;
	[tilespmem:$0x8A00] =	vst v63  }
0x160: {  	_ =	swait.ge [sflag:s15], $0x2000  }
0x161: {  	[sflag:s15] =	ssyncset.done $0x0  }
0x162: {  	s17 =	rddreg [dreg:$0x15];
	[sflag:s15] =	ssyncadd.s32 $0xFFFFE000  }
0x163: {  	[hbm4b:s17+s6] =	stream.strided.scatter [tilespmem:s5], [sflag:$0x7], $0x2000, s2, s6, $0x38;
	[tilespmem:$0x8A00] =	vst v63  }
0x164: {  	_ =	swait.ge [sflag:s16], $0x2000  }
0x165: {  	[sflag:s16] =	ssyncset.done $0x0  }
0x166: {  	s17 =	rddreg [dreg:$0x16];
	[sflag:s16] =	ssyncadd.s32 $0xFFFFE000  }
0x167: {  	[hbm4b:s17+s6] =	stream.strided.scatter [tilespmem:s3], [sflag:$0x8], $0x2000, s2, s6, $0x38;
	[tilespmem:$0x8A00] =	vst v63  }
0x168: {  	_ =	swait.ge [sflag:s4], $0x2000  }
0x169: {  	[sflag:s4] =	ssyncset.done $0x0  }
0x16a: {  	[sflag:s4] =	ssyncadd.s32 $0xFFFFE000  }
0x16b: {  	_ =	swait.ge [sflag:s7], $0x2000  }
0x16c: {  	[sflag:s7] =	ssyncset.done $0x0  }
0x16d: {  	p1 =	sne.s32 s1, $0x1;
	[sflag:s7] =	ssyncadd.s32 $0xFFFFE000  }
.Ltmp2:
0x16e: {  	_ =	swait.ge [sflag:s9], $0x2000;
	(pc) =	sbr.rel @p1 .LBB2_4-.Ltmp2, $4  }
0x16f: {  	[sflag:s9] =	ssyncset.done $0x0  }
0x170: {  	[sflag:s9] =	ssyncadd.s32 $0xFFFFE000  }
0x171: {  	_ =	swait.ge [sflag:s10], $0x2000  }
0x172: {  	s1 =	sadd.s32 $0xFFFFFFFF, s1;
	s0 =	rddreg [dreg:$0x3];
	[sflag:s10] =	ssyncset.done $0x0  }
0x173: {  	s18 =	simm.s32 $0x480;
	s30 =	simm.s32 $0x500  }
0x174: {  	s29 =	simm.s32 $0x580;
	s28 =	simm.s32 $0x600;
	s24 =	simm.s32 $0x680  }
0x175: {  	s23 =	simm.s32 $0x700;
	s22 =	simm.s32 $0x780;
	s21 =	simm.s32 $0x800  }
0x176: {  	s20 =	simm.s32 $0x880;
	s19 =	simm.s32 $0x900;
	s17 =	stileid.u32  }
.LBB2_6:
0x177: {  	[sflag:s10] =	ssyncadd.s32 @p0 $0xFFFFE000  }
0x178: {  	[tilespmem:s26], [sflag:$0x9] =	stream.linear.gather [hbm4b:s0+s26], $0xA00, $0x38;
	[tilespmem:$0x8A00] =	vst v63  }
0x179: {  	_ =	swait.ge [sflag:s31], $0xA00  }
0x17a: {  	[sflag:s31] =	ssyncset.done $0x0  }
0x17b: {  	[sflag:s31] =	ssyncadd.s32 $0xFFFFF600  }
0x17c: {  	[tilespmem:s12], [sflag:$0x1] =	stream.indirect.gather [hbm4b:s11+s2], $0x40, s26, s2, $0xb8;
	[tilespmem:$0x8A00] =	vst v63  }
0x17d: {  	_ = 	snop  }
0x17e: {  	[tilespmem:s8], [sflag:$0x2] =	stream.indirect.gather [hbm4b:s11+s2], $0x40, s2, s2, $0xb8;
	[tilespmem:$0x8A00] =	vst v63  }
0x17f: {  	s26 =	rddreg [dreg:$0x17]  }
0x180: {  	[tilespmem:s5], [sflag:$0x3] =	stream.indirect.gather [hbm4b:s11+s2], $0x40, s26, s2, $0xb8;
	[tilespmem:$0x8A00] =	vst v63  }
0x181: {  	s1 =	rddreg [dreg:$0x18]  }
0x182: {  	[tilespmem:s3], [sflag:$0x4] =	stream.indirect.gather [hbm4b:s11+s2], $0x40, s1, s2, $0xb8;
	[tilespmem:$0x8A00] =	vst v63  }
0x183: {  	_ =	swait.ge [sflag:s13], $0x2000  }
0x184: {  	[sflag:s13] =	ssyncset.done $0x0  }
0x185: {  	[sflag:s13] =	ssyncadd.s32 $0xFFFFE000  }
0x186: {  	[hbm4b:s25+s6] =	stream.strided.scatter [tilespmem:s12], [sflag:$0x5], $0x2000, s2, s6, $0x38;
	[tilespmem:$0x8A00] =	vst v63  }
0x187: {  	_ =	swait.ge [sflag:s4], $0x2000  }
0x188: {  	[sflag:s4] =	ssyncset.done $0x0  }
0x189: {  	s31 =	rddreg [dreg:$0x19];
	[sflag:s4] =	ssyncadd.s32 $0xFFFFE000  }
0x18a: {  	[tilespmem:s12], [sflag:$0x1] =	stream.indirect.gather [hbm4b:s11+s2], $0x40, s31, s2, $0xb8;
	[tilespmem:$0x8A00] =	vst v63  }
0x18b: {  	_ =	swait.ge [sflag:s14], $0x2000  }
0x18c: {  	[sflag:s14] =	ssyncset.done $0x0  }
0x18d: {  	s1 =	rddreg [dreg:$0x4];
	[sflag:s14] =	ssyncadd.s32 $0xFFFFE000  }
0x18e: {  	[hbm4b:s1+s6] =	stream.strided.scatter [tilespmem:s8], [sflag:$0x6], $0x2000, s2, s6, $0x38;
	[tilespmem:$0x8A00] =	vst v63  }
0x18f: {  	_ =	swait.ge [sflag:s7], $0x2000  }
0x190: {  	[sflag:s7] =	ssyncset.done $0x0  }
0x191: {  	s25 =	rddreg [dreg:$0x1a];
	[sflag:s7] =	ssyncadd.s32 $0xFFFFE000  }
0x192: {  	[tilespmem:s8], [sflag:$0x2] =	stream.indirect.gather [hbm4b:s11+s2], $0x40, s25, s2, $0xb8;
	[tilespmem:$0x8A00] =	vst v63  }
0x193: {  	_ =	swait.ge [sflag:s15], $0x2000  }
0x194: {  	[sflag:s15] =	ssyncset.done $0x0  }
0x195: {  	s26 =	rddreg [dreg:$0x5];
	[sflag:s15] =	ssyncadd.s32 $0xFFFFE000  }
0x196: {  	[hbm4b:s26+s6] =	stream.strided.scatter [tilespmem:s5], [sflag:$0x7], $0x2000, s2, s6, $0x38;
	[tilespmem:$0x8A00] =	vst v63  }
0x197: {  	_ =	swait.ge [sflag:s9], $0x2000  }
0x198: {  	[sflag:s9] =	ssyncset.done $0x0  }
0x199: {  	s31 =	rddreg [dreg:$0x1b];
	[sflag:s9] =	ssyncadd.s32 $0xFFFFE000  }
0x19a: {  	[tilespmem:s5], [sflag:$0x3] =	stream.indirect.gather [hbm4b:s11+s2], $0x40, s31, s2, $0xb8;
	[tilespmem:$0x8A00] =	vst v63  }
0x19b: {  	_ =	swait.ge [sflag:s16], $0x2000  }
0x19c: {  	[sflag:s16] =	ssyncset.done $0x0  }
0x19d: {  	s1 =	rddreg [dreg:$0x6];
	[sflag:s16] =	ssyncadd.s32 $0xFFFFE000  }
0x19e: {  	[hbm4b:s1+s6] =	stream.strided.scatter [tilespmem:s3], [sflag:$0x8], $0x2000, s2, s6, $0x38;
	[tilespmem:$0x8A00] =	vst v63  }
0x19f: {  	_ =	swait.ge [sflag:s10], $0x2000  }
0x1a0: {  	[sflag:s10] =	ssyncset.done $0x0  }
0x1a1: {  	s25 =	rddreg [dreg:$0x1c];
	[sflag:s10] =	ssyncadd.s32 $0xFFFFE000  }
0x1a2: {  	[tilespmem:s3], [sflag:$0x4] =	stream.indirect.gather [hbm4b:s11+s2], $0x40, s25, s2, $0xb8;
	[tilespmem:$0x8A00] =	vst v63  }
0x1a3: {  	_ =	swait.ge [sflag:s13], $0x2000  }
0x1a4: {  	[sflag:s13] =	ssyncset.done $0x0  }
0x1a5: {  	s26 =	rddreg [dreg:$0x7];
	[sflag:s13] =	ssyncadd.s32 $0xFFFFE000  }
0x1a6: {  	[hbm4b:s26+s6] =	stream.strided.scatter [tilespmem:s12], [sflag:$0x5], $0x2000, s2, s6, $0x38;
	[tilespmem:$0x8A00] =	vst v63  }
0x1a7: {  	_ =	swait.ge [sflag:s4], $0x2000  }
0x1a8: {  	[sflag:s4] =	ssyncset.done $0x0  }
0x1a9: {  	s31 =	rddreg [dreg:$0x1d];
	[sflag:s4] =	ssyncadd.s32 $0xFFFFE000  }
0x1aa: {  	[tilespmem:s12], [sflag:$0x1] =	stream.indirect.gather [hbm4b:s11+s2], $0x40, s31, s2, $0xb8;
	[tilespmem:$0x8A00] =	vst v63  }
0x1ab: {  	_ =	swait.ge [sflag:s14], $0x2000  }
0x1ac: {  	[sflag:s14] =	ssyncset.done $0x0  }
0x1ad: {  	s1 =	rddreg [dreg:$0x8];
	[sflag:s14] =	ssyncadd.s32 $0xFFFFE000  }
0x1ae: {  	[hbm4b:s1+s6] =	stream.strided.scatter [tilespmem:s8], [sflag:$0x6], $0x2000, s2, s6, $0x38;
	[tilespmem:$0x8A00] =	vst v63  }
0x1af: {  	_ =	swait.ge [sflag:s7], $0x2000  }
0x1b0: {  	[sflag:s7] =	ssyncset.done $0x0  }
0x1b1: {  	[sflag:s7] =	ssyncadd.s32 $0xFFFFE000  }
0x1b2: {  	[tilespmem:s8], [sflag:$0x2] =	stream.indirect.gather [hbm4b:s11+s2], $0x40, s18, s2, $0xb8;
	[tilespmem:$0x8A00] =	vst v63  }
0x1b3: {  	_ =	swait.ge [sflag:s15], $0x2000  }
0x1b4: {  	[sflag:s15] =	ssyncset.done $0x0  }
0x1b5: {  	s25 =	rddreg [dreg:$0x9];
	[sflag:s15] =	ssyncadd.s32 $0xFFFFE000  }
0x1b6: {  	[hbm4b:s25+s6] =	stream.strided.scatter [tilespmem:s5], [sflag:$0x7], $0x2000, s2, s6, $0x38;
	[tilespmem:$0x8A00] =	vst v63  }
0x1b7: {  	_ =	swait.ge [sflag:s9], $0x2000  }
0x1b8: {  	[sflag:s9] =	ssyncset.done $0x0  }
0x1b9: {  	[sflag:s9] =	ssyncadd.s32 $0xFFFFE000  }
0x1ba: {  	[tilespmem:s5], [sflag:$0x3] =	stream.indirect.gather [hbm4b:s11+s2], $0x40, s30, s2, $0xb8;
	[tilespmem:$0x8A00] =	vst v63  }
0x1bb: {  	_ =	swait.ge [sflag:s16], $0x2000  }
0x1bc: {  	[sflag:s16] =	ssyncset.done $0x0  }
0x1bd: {  	s26 =	rddreg [dreg:$0xa];
	[sflag:s16] =	ssyncadd.s32 $0xFFFFE000  }
0x1be: {  	[hbm4b:s26+s6] =	stream.strided.scatter [tilespmem:s3], [sflag:$0x8], $0x2000, s2, s6, $0x38;
	[tilespmem:$0x8A00] =	vst v63  }
0x1bf: {  	_ =	swait.ge [sflag:s10], $0x2000  }
0x1c0: {  	[sflag:s10] =	ssyncset.done $0x0  }
0x1c1: {  	[sflag:s10] =	ssyncadd.s32 $0xFFFFE000  }
0x1c2: {  	[tilespmem:s3], [sflag:$0x4] =	stream.indirect.gather [hbm4b:s11+s2], $0x40, s29, s2, $0xb8;
	[tilespmem:$0x8A00] =	vst v63  }
0x1c3: {  	_ =	swait.ge [sflag:s13], $0x2000  }
0x1c4: {  	[sflag:s13] =	ssyncset.done $0x0  }
0x1c5: {  	s30 =	rddreg [dreg:$0xb];
	[sflag:s13] =	ssyncadd.s32 $0xFFFFE000  }
0x1c6: {  	[hbm4b:s30+s6] =	stream.strided.scatter [tilespmem:s12], [sflag:$0x5], $0x2000, s2, s6, $0x38;
	[tilespmem:$0x8A00] =	vst v63  }
0x1c7: {  	_ =	swait.ge [sflag:s4], $0x2000  }
0x1c8: {  	[sflag:s4] =	ssyncset.done $0x0  }
0x1c9: {  	[sflag:s4] =	ssyncadd.s32 $0xFFFFE000  }
0x1ca: {  	[tilespmem:s12], [sflag:$0x1] =	stream.indirect.gather [hbm4b:s11+s2], $0x40, s28, s2, $0xb8;
	[tilespmem:$0x8A00] =	vst v63  }
0x1cb: {  	_ =	swait.ge [sflag:s14], $0x2000  }
0x1cc: {  	[sflag:s14] =	ssyncset.done $0x0  }
0x1cd: {  	s31 =	rddreg [dreg:$0xc];
	[sflag:s14] =	ssyncadd.s32 $0xFFFFE000  }
0x1ce: {  	[hbm4b:s31+s6] =	stream.strided.scatter [tilespmem:s8], [sflag:$0x6], $0x2000, s2, s6, $0x38;
	[tilespmem:$0x8A00] =	vst v63  }
0x1cf: {  	_ =	swait.ge [sflag:s7], $0x2000  }
0x1d0: {  	[sflag:s7] =	ssyncset.done $0x0  }
0x1d1: {  	[sflag:s7] =	ssyncadd.s32 $0xFFFFE000  }
0x1d2: {  	[tilespmem:s8], [sflag:$0x2] =	stream.indirect.gather [hbm4b:s11+s2], $0x40, s24, s2, $0xb8;
	[tilespmem:$0x8A00] =	vst v63  }
0x1d3: {  	_ =	swait.ge [sflag:s15], $0x2000  }
0x1d4: {  	[sflag:s15] =	ssyncset.done $0x0  }
0x1d5: {  	s1 =	rddreg [dreg:$0xd];
	[sflag:s15] =	ssyncadd.s32 $0xFFFFE000  }
0x1d6: {  	[hbm4b:s1+s6] =	stream.strided.scatter [tilespmem:s5], [sflag:$0x7], $0x2000, s2, s6, $0x38;
	[tilespmem:$0x8A00] =	vst v63  }
0x1d7: {  	_ =	swait.ge [sflag:s9], $0x2000  }
0x1d8: {  	[sflag:s9] =	ssyncset.done $0x0  }
0x1d9: {  	[sflag:s9] =	ssyncadd.s32 $0xFFFFE000  }
0x1da: {  	[tilespmem:s5], [sflag:$0x3] =	stream.indirect.gather [hbm4b:s11+s2], $0x40, s23, s2, $0xb8;
	[tilespmem:$0x8A00] =	vst v63  }
0x1db: {  	_ =	swait.ge [sflag:s16], $0x2000  }
0x1dc: {  	[sflag:s16] =	ssyncset.done $0x0  }
0x1dd: {  	s18 =	rddreg [dreg:$0xe];
	[sflag:s16] =	ssyncadd.s32 $0xFFFFE000  }
0x1de: {  	[hbm4b:s18+s6] =	stream.strided.scatter [tilespmem:s3], [sflag:$0x8], $0x2000, s2, s6, $0x38;
	[tilespmem:$0x8A00] =	vst v63  }
0x1df: {  	_ =	swait.ge [sflag:s10], $0x2000  }
0x1e0: {  	[sflag:s10] =	ssyncset.done $0x0  }
0x1e1: {  	[sflag:s10] =	ssyncadd.s32 $0xFFFFE000  }
0x1e2: {  	[tilespmem:s3], [sflag:$0x4] =	stream.indirect.gather [hbm4b:s11+s2], $0x40, s22, s2, $0xb8;
	[tilespmem:$0x8A00] =	vst v63  }
0x1e3: {  	_ =	swait.ge [sflag:s13], $0x2000  }
0x1e4: {  	[sflag:s13] =	ssyncset.done $0x0  }
0x1e5: {  	s22 =	rddreg [dreg:$0xf];
	[sflag:s13] =	ssyncadd.s32 $0xFFFFE000  }
0x1e6: {  	[hbm4b:s22+s6] =	stream.strided.scatter [tilespmem:s12], [sflag:$0x5], $0x2000, s2, s6, $0x38;
	[tilespmem:$0x8A00] =	vst v63  }
0x1e7: {  	_ =	swait.ge [sflag:s4], $0x2000  }
0x1e8: {  	[sflag:s4] =	ssyncset.done $0x0  }
0x1e9: {  	[sflag:s4] =	ssyncadd.s32 $0xFFFFE000  }
0x1ea: {  	[tilespmem:s12], [sflag:$0x1] =	stream.indirect.gather [hbm4b:s11+s2], $0x40, s21, s2, $0xb8;
	[tilespmem:$0x8A00] =	vst v63  }
0x1eb: {  	_ =	swait.ge [sflag:s14], $0x2000  }
0x1ec: {  	[sflag:s14] =	ssyncset.done $0x0  }
0x1ed: {  	s23 =	rddreg [dreg:$0x10];
	[sflag:s14] =	ssyncadd.s32 $0xFFFFE000  }
0x1ee: {  	[hbm4b:s23+s6] =	stream.strided.scatter [tilespmem:s8], [sflag:$0x6], $0x2000, s2, s6, $0x38;
	[tilespmem:$0x8A00] =	vst v63  }
0x1ef: {  	_ =	swait.ge [sflag:s7], $0x2000  }
0x1f0: {  	[sflag:s7] =	ssyncset.done $0x0  }
0x1f1: {  	[sflag:s7] =	ssyncadd.s32 $0xFFFFE000  }
0x1f2: {  	[tilespmem:s8], [sflag:$0x2] =	stream.indirect.gather [hbm4b:s11+s2], $0x40, s20, s2, $0xb8;
	[tilespmem:$0x8A00] =	vst v63  }
0x1f3: {  	_ =	swait.ge [sflag:s15], $0x2000  }
0x1f4: {  	[sflag:s15] =	ssyncset.done $0x0  }
0x1f5: {  	s24 =	rddreg [dreg:$0x11];
	[sflag:s15] =	ssyncadd.s32 $0xFFFFE000  }
0x1f6: {  	[hbm4b:s24+s6] =	stream.strided.scatter [tilespmem:s5], [sflag:$0x7], $0x2000, s2, s6, $0x38;
	[tilespmem:$0x8A00] =	vst v63  }
0x1f7: {  	_ =	swait.ge [sflag:s9], $0x2000  }
0x1f8: {  	[sflag:s9] =	ssyncset.done $0x0  }
0x1f9: {  	[sflag:s9] =	ssyncadd.s32 $0xFFFFE000  }
0x1fa: {  	[tilespmem:s5], [sflag:$0x3] =	stream.indirect.gather [hbm4b:s11+s2], $0x40, s19, s2, $0xb8;
	[tilespmem:$0x8A00] =	vst v63  }
0x1fb: {  	_ =	swait.ge [sflag:s16], $0x2000  }
0x1fc: {  	[sflag:s16] =	ssyncset.done $0x0  }
0x1fd: {  	s25 =	rddreg [dreg:$0x12];
	[sflag:s16] =	ssyncadd.s32 $0xFFFFE000  }
0x1fe: {  	[hbm4b:s25+s6] =	stream.strided.scatter [tilespmem:s3], [sflag:$0x8], $0x2000, s2, s6, $0x38;
	[tilespmem:$0x8A00] =	vst v63  }
0x1ff: {  	_ =	swait.ge [sflag:s10], $0x2000  }
0x200: {  	[sflag:s10] =	ssyncset.done $0x0  }
0x201: {  	s26 =	simm.s32 $0x980;
	[sflag:s10] =	ssyncadd.s32 $0xFFFFE000  }
0x202: {  	[tilespmem:s3], [sflag:$0x4] =	stream.indirect.gather [hbm4b:s11+s2], $0x40, s26, s2, $0xb8;
	[tilespmem:$0x8A00] =	vst v63  }
0x203: {  	_ =	swait.ge [sflag:s13], $0x2000  }
0x204: {  	[sflag:s13] =	ssyncset.done $0x0  }
0x205: {  	s28 =	rddreg [dreg:$0x13];
	[sflag:s13] =	ssyncadd.s32 $0xFFFFE000  }
0x206: {  	[hbm4b:s28+s6] =	stream.strided.scatter [tilespmem:s12], [sflag:$0x5], $0x2000, s2, s6, $0x38;
	[tilespmem:$0x8A00] =	vst v63  }
0x207: {  	_ =	swait.ge [sflag:s14], $0x2000  }
0x208: {  	[sflag:s14] =	ssyncset.done $0x0  }
0x209: {  	s29 =	rddreg [dreg:$0x14];
	[sflag:s14] =	ssyncadd.s32 $0xFFFFE000  }
0x20a: {  	[hbm4b:s29+s6] =	stream.strided.scatter [tilespmem:s8], [sflag:$0x6], $0x2000, s2, s6, $0x38;
	[tilespmem:$0x8A00] =	vst v63  }
0x20b: {  	_ =	swait.ge [sflag:s15], $0x2000  }
0x20c: {  	[sflag:s15] =	ssyncset.done $0x0  }
0x20d: {  	s30 =	rddreg [dreg:$0x15];
	[sflag:s15] =	ssyncadd.s32 $0xFFFFE000  }
0x20e: {  	[hbm4b:s30+s6] =	stream.strided.scatter [tilespmem:s5], [sflag:$0x7], $0x2000, s2, s6, $0x38;
	[tilespmem:$0x8A00] =	vst v63  }
0x20f: {  	_ =	swait.ge [sflag:s16], $0x2000  }
0x210: {  	[sflag:s16] =	ssyncset.done $0x0  }
0x211: {  	s31 =	rddreg [dreg:$0x16];
	[sflag:s16] =	ssyncadd.s32 $0xFFFFE000  }
0x212: {  	[hbm4b:s31+s6] =	stream.strided.scatter [tilespmem:s3], [sflag:$0x8], $0x2000, s2, s6, $0x38;
	[tilespmem:$0x8A00] =	vst v63  }
0x213: {  	_ =	swait.ge [sflag:s4], $0x2000  }
0x214: {  	[sflag:s4] =	ssyncset.done $0x0  }
0x215: {  	[sflag:s4] =	ssyncadd.s32 $0xFFFFE000  }
0x216: {  	_ =	swait.ge [sflag:s7], $0x2000  }
0x217: {  	[sflag:s7] =	ssyncset.done $0x0  }
0x218: {  	[sflag:s7] =	ssyncadd.s32 $0xFFFFE000  }
0x219: {  	_ =	swait.ge [sflag:s9], $0x2000  }
0x21a: {  	[sflag:s9] =	ssyncset.done $0x0  }
0x21b: {  	[sflag:s9] =	ssyncadd.s32 $0xFFFFE000  }
0x21c: {  	_ =	swait.ge [sflag:s10], $0x2000  }
0x21d: {  	[sflag:s10] =	ssyncset.done $0x0  }
0x21e: {  	[sflag:s10] =	ssyncadd.s32 $0xFFFFE000  }
0x21f: {  	_ =	sfence.sel $0x180000  }
0x220: {  	[bflag:$0x0] =	sbarrier.arrive $0xFFFF  }
0x221: {  	_ =	strace $0x90000047  }
0x222: {  	[bflag:$0x2] =	sbarrier.arrive $0xFFFF  }
0x223: {  	p0 =	sne.s32 s17, $0x0;
	s0 =	rddreg [dreg:$0x2]  }
0x224: {  	s0 =	sadd.s32 @!p0 $0x100000, s0  }
0x225: {  	[sflag:s0] =	ssyncadd.tile.s32 @!p0 $0x1;
	_ =	shalt  }
.LBB2_1:
.Ltmp3:
0x226: {  	(pc) =	sbr.rel .LBB2_6-.Ltmp3, $4  }
0x227: {  	s18 =	simm.s32 $0x480  }
0x228: {  	s30 =	simm.s32 $0x500;
	s29 =	simm.s32 $0x580;
	s28 =	simm.s32 $0x600  }
0x229: {  	s24 =	simm.s32 $0x680;
	s23 =	simm.s32 $0x700;
	s22 =	simm.s32 $0x780  }
0x22a: {  	s21 =	simm.s32 $0x800;
	s20 =	simm.s32 $0x880;
	s19 =	simm.s32 $0x900  }
.LBB2_3:
.Ltmp4:
0x22b: {  	(pc) =	sbr.rel .LBB2_6-.Ltmp4, $4  }
0x22c: {  	s18 =	simm.s32 $0x480;
	s30 =	simm.s32 $0x500  }
0x22d: {  	s29 =	simm.s32 $0x580;
	s28 =	simm.s32 $0x600;
	s24 =	simm.s32 $0x680  }
0x22e: {  	s23 =	simm.s32 $0x700;
	s22 =	simm.s32 $0x780;
	s21 =	simm.s32 $0x800  }
0x22f: {  	s20 =	simm.s32 $0x880;
	s19 =	simm.s32 $0x900;
	s17 =	stileid.u32  }
.Lfunc_end2:
_tile_overlayer_lowered:
.L_overlay_start_2:
0x230: {  	(tag) =	ssettag $0x2  }
0x231: {  	s0 =	rddreg [dreg:$0x0];
	s2 =	stileid.u32  }
0x232: {  	s1 =	rddreg [dreg:$0x1];
	p0 =	sne.s32 s2, $0x0  }
0x233: {  	s3 =	rddreg [dreg:$0x2];
	[bflag:$0x3] =	sbarrier.arrive $0xFFFF;
	s2 =	simm.s32 @!p0 $0x1C09  }
0x234: {  	[timem:s3], [sflag:s2] =	dma.local @!p0 [hbm:s0], s1  }
0x235: {  	s0 =	simm.s32 @!p0 $0x9  }
0x236: {  	_ =	swait.ge @!p0 [sflag:s0], s1  }
0x237: {  	s1 =	ssub.s32 @!p0 $0x0, s1;
	[sflag:s0] =	ssyncset.done @!p0 $0x0  }
0x238: {  	[sflag:s0] =	ssyncadd.s32 @!p0 s1  }
0x239: {  	[bflag:$0x3] =	sbarrier.arrive $0xFFFF  }
0x23a: {  	_ =	shalt  }

</sc_bundles>
